<compile_context>
chip_gen: v7x
topology: tpu7x:2x2x1
jax: 0.10.2.dev20260603
libtpu: 0.0.44.dev20260713+nightly
codegen_flags: <defaults>
</compile_context>

<pallas_src>
import jax
import jax.numpy as jnp
from jax import lax
from jax.experimental import pallas as pl
from jax.experimental.pallas import tpu as pltpu
from jax.experimental.pallas import tpu_sc as plsc

N_POINTS = 320000
D = 128
N_VOX = 10000

NC = 2
NS = 16
NW = NC * NS
PTS_PER_TILE = N_POINTS // NW
CHUNK = 80
CHUNKS_PER_TILE = PTS_PER_TILE // CHUNK
GCH = 80
NG = PTS_PER_TILE // GCH
N_VOX_PAD = 10240
VOX_PER_TILE = N_VOX_PAD // NS
ZROWS = 80


def _make_sc_scatter():
    mesh = plsc.VectorSubcoreMesh(core_axis_name="c", subcore_axis_name="s",
                                  num_cores=NC, num_subcores=NS)

    def sc_entry(feat_hbm, coors_hbm, zeros_hbm, zeros1_hbm, ones_hbm,
                 sums_hbm, cnts_hbm, idx_v, st_a, st_b, st_c, ones_v, cb_v,
                 sums_sh, cnts_sh, gs_a, gs_b, gs_c, ss, cs, fs):
        c = lax.axis_index("c")
        s = lax.axis_index("s")
        wid = s * NC + c

        idesc = pltpu.async_copy(coors_hbm.at[wid], idx_v, gs_b)
        odesc = pltpu.async_copy(ones_hbm, ones_v, gs_c)

        pltpu.sync_copy(zeros_hbm, st_a.at[pl.ds(0, ZROWS)])
        zdescs = []
        for q in range(VOX_PER_TILE // ZROWS):
            zdescs.append(pltpu.async_copy(
                st_a.at[pl.ds(0, ZROWS)],
                sums_sh.at[pl.ds(s * VOX_PER_TILE + q * ZROWS, ZROWS)], fs))
        pltpu.sync_copy(zeros1_hbm, cb_v)
        pltpu.sync_copy(cb_v, cnts_sh.at[pl.ds(s * VOX_PER_TILE, VOX_PER_TILE)])
        for d in zdescs:
            d.wait()
        idesc.wait()
        odesc.wait()
        plsc.subcore_barrier()

        ring = ((st_a, gs_a), (st_b, gs_b), (st_c, gs_c))

        def gather(j, buf, sem):
            base = wid * PTS_PER_TILE + j * GCH
            pltpu.async_copy(feat_hbm.at[pl.ds(base, GCH)], buf, sem)

        def gwait(buf, sem):
            pltpu.make_async_copy(feat_hbm.at[pl.ds(0, GCH)], buf, sem).wait()

        def swait():
            pltpu.make_async_copy(st_a, sums_sh.at[idx_v.at[0]], ss).wait()
            pltpu.make_async_copy(ones_v, cnts_sh.at[idx_v.at[0]], cs).wait()

        def substep(j, slot):
            buf, sem = ring[slot]
            gwait(buf, sem)

            @pl.when(j + 1 <= NG - 1)
            def _():
                gather(j + 1, *ring[(slot + 1) % 3])

            pltpu.async_copy(buf, sums_sh.at[idx_v.at[j]], ss, add=True)
            pltpu.async_copy(ones_v, cnts_sh.at[idx_v.at[j]], cs, add=True)

            @pl.when(j >= 1)
            def _():
                swait()

        gather(0, st_a, gs_a)

        def body(k, carry):
            j0 = 3 * k
            substep(j0, 0)
            substep(j0 + 1, 1)
            substep(j0 + 2, 2)
            return carry

        lax.fori_loop(0, NG // 3, body, 0)
        substep(NG - 2, (NG - 2) % 3)
        substep(NG - 1, (NG - 1) % 3)
        swait()

        plsc.subcore_barrier()

        descs = []
        for q in range(VOX_PER_TILE // ZROWS):
            off = s * VOX_PER_TILE + q * ZROWS
            buf = st_a if q % 2 == 0 else st_b
            if q >= 2:
                descs[q - 2].wait()
            pltpu.sync_copy(sums_sh.at[pl.ds(off, ZROWS)],
                            buf.at[pl.ds(0, ZROWS)])
            descs.append(pltpu.async_copy(buf.at[pl.ds(0, ZROWS)],
                                          sums_hbm.at[c, pl.ds(off, ZROWS)],
                                          fs))
        pltpu.sync_copy(cnts_sh.at[pl.ds(s * VOX_PER_TILE, VOX_PER_TILE)], cb_v)
        pltpu.sync_copy(cb_v, cnts_hbm.at[c, s])
        descs[-2].wait()
        descs[-1].wait()

    return pl.kernel(
        sc_entry,
        out_type=[
            jax.ShapeDtypeStruct((NC, N_VOX_PAD, D), jnp.float32),
            jax.ShapeDtypeStruct((NC, NS, VOX_PER_TILE), jnp.float32),
        ],
        mesh=mesh,
        scratch_types=[
            pltpu.VMEM((CHUNKS_PER_TILE, CHUNK), jnp.int32),
            pltpu.VMEM((GCH, D), jnp.float32),
            pltpu.VMEM((GCH, D), jnp.float32),
            pltpu.VMEM((GCH, D), jnp.float32),
            pltpu.VMEM((CHUNK,), jnp.float32),
            pltpu.VMEM((VOX_PER_TILE,), jnp.float32),
            pltpu.VMEM_SHARED((N_VOX_PAD, D), jnp.float32),
            pltpu.VMEM_SHARED((N_VOX_PAD,), jnp.float32),
            pltpu.SemaphoreType.DMA,
            pltpu.SemaphoreType.DMA,
            pltpu.SemaphoreType.DMA,
            pltpu.SemaphoreType.DMA,
            pltpu.SemaphoreType.DMA,
            pltpu.SemaphoreType.DMA,
        ],
    )


_sc_scatter = _make_sc_scatter()

_ROWS_BLK = 1000


def _combine_body(sums_ref, cnts_ref, out_ref):
    s = sums_ref[0] + sums_ref[1]
    cnt = cnts_ref[0] + cnts_ref[1]
    out_ref[...] = s / jnp.maximum(cnt, 1.0)


_combine = pl.pallas_call(
    _combine_body,
    grid=(N_VOX // _ROWS_BLK,),
    in_specs=[
        pl.BlockSpec((NC, _ROWS_BLK, D), lambda i: (0, i, 0)),
        pl.BlockSpec((NC, _ROWS_BLK, 1), lambda i: (0, i, 0)),
    ],
    out_specs=pl.BlockSpec((_ROWS_BLK, D), lambda i: (i, 0)),
    out_shape=jax.ShapeDtypeStruct((N_VOX, D), jnp.float32),
)


@jax.jit
def kernel(features, coors):
    coors2d = coors.reshape(NW, CHUNKS_PER_TILE, CHUNK)
    zeros = jnp.zeros((ZROWS, D), jnp.float32)
    zeros1 = jnp.zeros((VOX_PER_TILE,), jnp.float32)
    ones = jnp.ones((CHUNK,), jnp.float32)
    sums_p, cnts_p = _sc_scatter(features, coors2d, zeros, zeros1, ones)
    cnts_col = cnts_p.reshape(NC, N_VOX_PAD, 1)
    voxel_features = _combine(sums_p, cnts_col)
    features_coors = jnp.arange(N_VOX, dtype=coors.dtype)
    return voxel_features, features_coors

# --- scband reference (transcript-rebuilt; emitter-appended) ---
"""Pipeline reference for scband-dynamic-simple-vfe-26834955665464 (READ-ONLY COPY).

The authoritative reference and input builder live on the scoring server;
editing this copy changes nothing except your own understanding.
"""

import jax, jax.numpy as jnp
import numpy as np

NUM_POINTS = 320000
D_FEAT = 128
NUM_VOXELS = 10000

def setup_inputs(seed: int = 0) -> dict:
    key = jax.random.key(seed)
    k1, k2 = jax.random.split(key)
    features = jax.random.normal(k1, (NUM_POINTS, D_FEAT), dtype=jnp.float32)
    coors = jnp.sort(jax.random.randint(k2, (NUM_POINTS,), 0, NUM_VOXELS, dtype=jnp.int32))
    return {"features": features, "coors": coors}

def reference(features, coors):
    # DynamicSimpleVFE: Scatter(coors).reduce(features, 'mean')
    # Scatter-mean of per-point features into their voxel (segment id given by coors).
    num_segments = NUM_VOXELS
    sums = jax.ops.segment_sum(features, coors, num_segments=num_segments)
    counts = jax.ops.segment_sum(jnp.ones((features.shape[0],), dtype=features.dtype), coors, num_segments=num_segments)
    voxel_features = sums / jnp.maximum(counts, 1.0)[:, None]
    # features_coors: the voxel coordinate for each output row (unique coors).
    # With dense segment ids 0..num_segments-1 this is simply arange.
    features_coors = jnp.arange(num_segments, dtype=coors.dtype)
    return (voxel_features, features_coors)

if __name__ == "__main__":
    import jax
    _d = setup_inputs()
    print(jax.jit(kernel)(*tuple(_d.values())))

</pallas_src>

<mosaic_0001>
#map = affine_map<(d0, d1) -> (0, 0)>
#map1 = affine_map<(d0, d1) -> (0, 0, 0)>
#map2 = affine_map<(d0, d1) -> (0)>
module attributes {stable_mosaic.version = 14 : i64} {
  func.func @sc_entry(%arg0: i32, %arg1: i32, %arg2: memref<320000x128xf32, #tpu.memory_space<hbm>>, %arg3: memref<32x125x80xi32, #tpu.memory_space<hbm>>, %arg4: memref<80x128xf32, #tpu.memory_space<hbm>>, %arg5: memref<640xf32, #tpu.memory_space<hbm>>, %arg6: memref<80xf32, #tpu.memory_space<hbm>>, %arg7: memref<2x10240x128xf32, #tpu.memory_space<hbm>>, %arg8: memref<2x16x640xf32, #tpu.memory_space<hbm>>, %arg9: memref<125x80xi32, #tpu.memory_space<vmem>>, %arg10: memref<80x128xf32, #tpu.memory_space<vmem>>, %arg11: memref<80x128xf32, #tpu.memory_space<vmem>>, %arg12: memref<80x128xf32, #tpu.memory_space<vmem>>, %arg13: memref<80xf32, #tpu.memory_space<vmem>>, %arg14: memref<640xf32, #tpu.memory_space<vmem>>, %arg15: memref<10240x128xf32, #tpu.memory_space<vmem_shared>>, %arg16: memref<10240xf32, #tpu.memory_space<vmem_shared>>, %arg17: memref<!tpu.dma_semaphore, #tpu.memory_space<semaphore_mem>>, %arg18: memref<!tpu.dma_semaphore, #tpu.memory_space<semaphore_mem>>, %arg19: memref<!tpu.dma_semaphore, #tpu.memory_space<semaphore_mem>>, %arg20: memref<!tpu.dma_semaphore, #tpu.memory_space<semaphore_mem>>, %arg21: memref<!tpu.dma_semaphore, #tpu.memory_space<semaphore_mem>>, %arg22: memref<!tpu.dma_semaphore, #tpu.memory_space<semaphore_mem>>) attributes {dimension_semantics = [#tpu.dimension_semantics<core_parallel>, #tpu.dimension_semantics<subcore_parallel>], iteration_bounds = array<i64: 2, 16>, scalar_prefetch = 0 : i64, scratch_operands = 14 : i64, tpu.core_type = #tpu.core_type<sc_vector_subcore>, window_params = [{transform_indices = #map}, {transform_indices = #map1}, {transform_indices = #map}, {transform_indices = #map2}, {transform_indices = #map2}, {transform_indices = #map1}, {transform_indices = #map1}]} {
    %mul3A = arith.constant 2 : i32
    %mul3A_0 = arith.muli %arg1, %mul3A : i32
    %add3A = arith.addi %mul3A_0, %arg0 : i32
    %dma_start3A = arith.constant 0 : i32
    %dma_start3A_1 = arith.constant 0 : i32
    %dma_start3A_2 = tpu.memref_slice %arg3[%add3A, %dma_start3A, %dma_start3A_1] : memref<32x125x80xi32, #tpu.memory_space<hbm>> -> memref<1x125x80xi32, #tpu.memory_space<hbm>>
    %dma_start3A_3 = tpu.memref_squeeze %dma_start3A_2 : memref<1x125x80xi32, #tpu.memory_space<hbm>> -> memref<125x80xi32, #tpu.memory_space<hbm>>
    %dma_start3A_4 = arith.constant 0 : i32
    %dma_start3A_5 = arith.constant 0 : i32
    %dma_start3A_6 = tpu.memref_slice %arg3[%add3A, %dma_start3A_4, %dma_start3A_5] : memref<32x125x80xi32, #tpu.memory_space<hbm>> -> memref<1x125x80xi32, #tpu.memory_space<hbm>>
    %dma_start3A_7 = tpu.memref_squeeze %dma_start3A_6 : memref<1x125x80xi32, #tpu.memory_space<hbm>> -> memref<125x80xi32, #tpu.memory_space<hbm>>
    tpu.enqueue_dma source(%dma_start3A_7 : memref<125x80xi32, #tpu.memory_space<hbm>>) target(%arg9 : memref<125x80xi32, #tpu.memory_space<vmem>>) target_semaphore(%arg18 : memref<!tpu.dma_semaphore, #tpu.memory_space<semaphore_mem>>)
    tpu.enqueue_dma source(%arg6 : memref<80xf32, #tpu.memory_space<hbm>>) target(%arg13 : memref<80xf32, #tpu.memory_space<vmem>>) target_semaphore(%arg19 : memref<!tpu.dma_semaphore, #tpu.memory_space<semaphore_mem>>)
    "tpu.region"() ({
      %run_scoped3A = tpu.sem_alloc : memref<!tpu.dma_semaphore, #tpu.memory_space<semaphore_mem>>
      %dma_start3A_534 = arith.constant 0 : i32
      %dma_start3A_535 = arith.constant 0 : i32
      %dma_start3A_536 = tpu.memref_slice %arg10[%dma_start3A_534, %dma_start3A_535] : memref<80x128xf32, #tpu.memory_space<vmem>> -> memref<80x128xf32, #tpu.memory_space<vmem>>
      %dma_start3A_537 = arith.constant 0 : i32
      %dma_start3A_538 = arith.constant 0 : i32
      %dma_start3A_539 = tpu.memref_slice %arg10[%dma_start3A_537, %dma_start3A_538] : memref<80x128xf32, #tpu.memory_space<vmem>> -> memref<80x128xf32, #tpu.memory_space<vmem>>
      tpu.enqueue_dma source(%arg4 : memref<80x128xf32, #tpu.memory_space<hbm>>) target(%dma_start3A_539 : memref<80x128xf32, #tpu.memory_space<vmem>>) target_semaphore(%run_scoped3A : memref<!tpu.dma_semaphore, #tpu.memory_space<semaphore_mem>>)
      %dma_wait3A_540 = arith.constant 0 : i32
      %dma_wait3A_541 = arith.constant 0 : i32
      %dma_wait3A_542 = tpu.memref_slice %arg10[%dma_wait3A_540, %dma_wait3A_541] : memref<80x128xf32, #tpu.memory_space<vmem>> -> memref<80x128xf32, #tpu.memory_space<vmem>>
      %dma_wait3A_543 = arith.constant 0 : i32
      %dma_wait3A_544 = arith.constant 0 : i32
      %dma_wait3A_545 = tpu.memref_slice %arg10[%dma_wait3A_543, %dma_wait3A_544] : memref<80x128xf32, #tpu.memory_space<vmem>> -> memref<80x128xf32, #tpu.memory_space<vmem>>
      tpu.wait_dma2 semaphore(%run_scoped3A : memref<!tpu.dma_semaphore, #tpu.memory_space<semaphore_mem>>) src(%arg4 : memref<80x128xf32, #tpu.memory_space<hbm>>) dst(%dma_wait3A_545 : memref<80x128xf32, #tpu.memory_space<vmem>>)
      tpu.yield
    }) : () -> ()
    %mul3A_8 = arith.constant 640 : i32
    %mul3A_9 = arith.muli %arg1, %mul3A_8 : i32
    %add3A_10 = arith.constant 0 : i32
    %add3A_11 = arith.addi %mul3A_9, %add3A_10 : i32
    %dma_start3A_12 = arith.constant 0 : i32
    %dma_start3A_13 = arith.constant 0 : i32
    %dma_start3A_14 = tpu.memref_slice %arg10[%dma_start3A_12, %dma_start3A_13] : memref<80x128xf32, #tpu.memory_space<vmem>> -> memref<80x128xf32, #tpu.memory_space<vmem>>
    %dma_start3A_15 = arith.constant 0 : i32
    %dma_start3A_16 = tpu.memref_slice %arg15[%add3A_11, %dma_start3A_15] : memref<10240x128xf32, #tpu.memory_space<vmem_shared>> -> memref<80x128xf32, #tpu.memory_space<vmem_shared>>
    %dma_start3A_17 = arith.constant 0 : i32
    %dma_start3A_18 = tpu.memref_slice %arg15[%add3A_11, %dma_start3A_17] : memref<10240x128xf32, #tpu.memory_space<vmem_shared>> -> memref<80x128xf32, #tpu.memory_space<vmem_shared>>
    %dma_start3A_19 = arith.constant 0 : i32
    %dma_start3A_20 = arith.constant 0 : i32
    %dma_start3A_21 = tpu.memref_slice %arg10[%dma_start3A_19, %dma_start3A_20] : memref<80x128xf32, #tpu.memory_space<vmem>> -> memref<80x128xf32, #tpu.memory_space<vmem>>
    tpu.enqueue_dma source(%dma_start3A_21 : memref<80x128xf32, #tpu.memory_space<vmem>>) target(%dma_start3A_18 : memref<80x128xf32, #tpu.memory_space<vmem_shared>>) target_semaphore(%arg22 : memref<!tpu.dma_semaphore, #tpu.memory_space<semaphore_mem>>)
    %mul3A_22 = arith.constant 640 : i32
    %mul3A_23 = arith.muli %arg1, %mul3A_22 : i32
    %add3A_24 = arith.constant 80 : i32
    %add3A_25 = arith.addi %mul3A_23, %add3A_24 : i32
    %dma_start3A_26 = arith.constant 0 : i32
    %dma_start3A_27 = arith.constant 0 : i32
    %dma_start3A_28 = tpu.memref_slice %arg10[%dma_start3A_26, %dma_start3A_27] : memref<80x128xf32, #tpu.memory_space<vmem>> -> memref<80x128xf32, #tpu.memory_space<vmem>>
    %dma_start3A_29 = arith.constant 0 : i32
    %dma_start3A_30 = tpu.memref_slice %arg15[%add3A_25, %dma_start3A_29] : memref<10240x128xf32, #tpu.memory_space<vmem_shared>> -> memref<80x128xf32, #tpu.memory_space<vmem_shared>>
    %dma_start3A_31 = arith.constant 0 : i32
    %dma_start3A_32 = tpu.memref_slice %arg15[%add3A_25, %dma_start3A_31] : memref<10240x128xf32, #tpu.memory_space<vmem_shared>> -> memref<80x128xf32, #tpu.memory_space<vmem_shared>>
    %dma_start3A_33 = arith.constant 0 : i32
    %dma_start3A_34 = arith.constant 0 : i32
    %dma_start3A_35 = tpu.memref_slice %arg10[%dma_start3A_33, %dma_start3A_34] : memref<80x128xf32, #tpu.memory_space<vmem>> -> memref<80x128xf32, #tpu.memory_space<vmem>>
    tpu.enqueue_dma source(%dma_start3A_35 : memref<80x128xf32, #tpu.memory_space<vmem>>) target(%dma_start3A_32 : memref<80x128xf32, #tpu.memory_space<vmem_shared>>) target_semaphore(%arg22 : memref<!tpu.dma_semaphore, #tpu.memory_space<semaphore_mem>>)
    %mul3A_36 = arith.constant 640 : i32
    %mul3A_37 = arith.muli %arg1, %mul3A_36 : i32
    %add3A_38 = arith.constant 160 : i32
    %add3A_39 = arith.addi %mul3A_37, %add3A_38 : i32
    %dma_start3A_40 = arith.constant 0 : i32
    %dma_start3A_41 = arith.constant 0 : i32
    %dma_start3A_42 = tpu.memref_slice %arg10[%dma_start3A_40, %dma_start3A_41] : memref<80x128xf32, #tpu.memory_space<vmem>> -> memref<80x128xf32, #tpu.memory_space<vmem>>
    %dma_start3A_43 = arith.constant 0 : i32
    %dma_start3A_44 = tpu.memref_slice %arg15[%add3A_39, %dma_start3A_43] : memref<10240x128xf32, #tpu.memory_space<vmem_shared>> -> memref<80x128xf32, #tpu.memory_space<vmem_shared>>
    %dma_start3A_45 = arith.constant 0 : i32
    %dma_start3A_46 = tpu.memref_slice %arg15[%add3A_39, %dma_start3A_45] : memref<10240x128xf32, #tpu.memory_space<vmem_shared>> -> memref<80x128xf32, #tpu.memory_space<vmem_shared>>
    %dma_start3A_47 = arith.constant 0 : i32
    %dma_start3A_48 = arith.constant 0 : i32
    %dma_start3A_49 = tpu.memref_slice %arg10[%dma_start3A_47, %dma_start3A_48] : memref<80x128xf32, #tpu.memory_space<vmem>> -> memref<80x128xf32, #tpu.memory_space<vmem>>
    tpu.enqueue_dma source(%dma_start3A_49 : memref<80x128xf32, #tpu.memory_space<vmem>>) target(%dma_start3A_46 : memref<80x128xf32, #tpu.memory_space<vmem_shared>>) target_semaphore(%arg22 : memref<!tpu.dma_semaphore, #tpu.memory_space<semaphore_mem>>)
    %mul3A_50 = arith.constant 640 : i32
    %mul3A_51 = arith.muli %arg1, %mul3A_50 : i32
    %add3A_52 = arith.constant 240 : i32
    %add3A_53 = arith.addi %mul3A_51, %add3A_52 : i32
    %dma_start3A_54 = arith.constant 0 : i32
    %dma_start3A_55 = arith.constant 0 : i32
    %dma_start3A_56 = tpu.memref_slice %arg10[%dma_start3A_54, %dma_start3A_55] : memref<80x128xf32, #tpu.memory_space<vmem>> -> memref<80x128xf32, #tpu.memory_space<vmem>>
    %dma_start3A_57 = arith.constant 0 : i32
    %dma_start3A_58 = tpu.memref_slice %arg15[%add3A_53, %dma_start3A_57] : memref<10240x128xf32, #tpu.memory_space<vmem_shared>> -> memref<80x128xf32, #tpu.memory_space<vmem_shared>>
    %dma_start3A_59 = arith.constant 0 : i32
    %dma_start3A_60 = tpu.memref_slice %arg15[%add3A_53, %dma_start3A_59] : memref<10240x128xf32, #tpu.memory_space<vmem_shared>> -> memref<80x128xf32, #tpu.memory_space<vmem_shared>>
    %dma_start3A_61 = arith.constant 0 : i32
    %dma_start3A_62 = arith.constant 0 : i32
    %dma_start3A_63 = tpu.memref_slice %arg10[%dma_start3A_61, %dma_start3A_62] : memref<80x128xf32, #tpu.memory_space<vmem>> -> memref<80x128xf32, #tpu.memory_space<vmem>>
    tpu.enqueue_dma source(%dma_start3A_63 : memref<80x128xf32, #tpu.memory_space<vmem>>) target(%dma_start3A_60 : memref<80x128xf32, #tpu.memory_space<vmem_shared>>) target_semaphore(%arg22 : memref<!tpu.dma_semaphore, #tpu.memory_space<semaphore_mem>>)
    %mul3A_64 = arith.constant 640 : i32
    %mul3A_65 = arith.muli %arg1, %mul3A_64 : i32
    %add3A_66 = arith.constant 320 : i32
    %add3A_67 = arith.addi %mul3A_65, %add3A_66 : i32
    %dma_start3A_68 = arith.constant 0 : i32
    %dma_start3A_69 = arith.constant 0 : i32
    %dma_start3A_70 = tpu.memref_slice %arg10[%dma_start3A_68, %dma_start3A_69] : memref<80x128xf32, #tpu.memory_space<vmem>> -> memref<80x128xf32, #tpu.memory_space<vmem>>
    %dma_start3A_71 = arith.constant 0 : i32
    %dma_start3A_72 = tpu.memref_slice %arg15[%add3A_67, %dma_start3A_71] : memref<10240x128xf32, #tpu.memory_space<vmem_shared>> -> memref<80x128xf32, #tpu.memory_space<vmem_shared>>
    %dma_start3A_73 = arith.constant 0 : i32
    %dma_start3A_74 = tpu.memref_slice %arg15[%add3A_67, %dma_start3A_73] : memref<10240x128xf32, #tpu.memory_space<vmem_shared>> -> memref<80x128xf32, #tpu.memory_space<vmem_shared>>
    %dma_start3A_75 = arith.constant 0 : i32
    %dma_start3A_76 = arith.constant 0 : i32
    %dma_start3A_77 = tpu.memref_slice %arg10[%dma_start3A_75, %dma_start3A_76] : memref<80x128xf32, #tpu.memory_space<vmem>> -> memref<80x128xf32, #tpu.memory_space<vmem>>
    tpu.enqueue_dma source(%dma_start3A_77 : memref<80x128xf32, #tpu.memory_space<vmem>>) target(%dma_start3A_74 : memref<80x128xf32, #tpu.memory_space<vmem_shared>>) target_semaphore(%arg22 : memref<!tpu.dma_semaphore, #tpu.memory_space<semaphore_mem>>)
    %mul3A_78 = arith.constant 640 : i32
    %mul3A_79 = arith.muli %arg1, %mul3A_78 : i32
    %add3A_80 = arith.constant 400 : i32
    %add3A_81 = arith.addi %mul3A_79, %add3A_80 : i32
    %dma_start3A_82 = arith.constant 0 : i32
    %dma_start3A_83 = arith.constant 0 : i32
    %dma_start3A_84 = tpu.memref_slice %arg10[%dma_start3A_82, %dma_start3A_83] : memref<80x128xf32, #tpu.memory_space<vmem>> -> memref<80x128xf32, #tpu.memory_space<vmem>>
    %dma_start3A_85 = arith.constant 0 : i32
    %dma_start3A_86 = tpu.memref_slice %arg15[%add3A_81, %dma_start3A_85] : memref<10240x128xf32, #tpu.memory_space<vmem_shared>> -> memref<80x128xf32, #tpu.memory_space<vmem_shared>>
    %dma_start3A_87 = arith.constant 0 : i32
    %dma_start3A_88 = tpu.memref_slice %arg15[%add3A_81, %dma_start3A_87] : memref<10240x128xf32, #tpu.memory_space<vmem_shared>> -> memref<80x128xf32, #tpu.memory_space<vmem_shared>>
    %dma_start3A_89 = arith.constant 0 : i32
    %dma_start3A_90 = arith.constant 0 : i32
    %dma_start3A_91 = tpu.memref_slice %arg10[%dma_start3A_89, %dma_start3A_90] : memref<80x128xf32, #tpu.memory_space<vmem>> -> memref<80x128xf32, #tpu.memory_space<vmem>>
    tpu.enqueue_dma source(%dma_start3A_91 : memref<80x128xf32, #tpu.memory_space<vmem>>) target(%dma_start3A_88 : memref<80x128xf32, #tpu.memory_space<vmem_shared>>) target_semaphore(%arg22 : memref<!tpu.dma_semaphore, #tpu.memory_space<semaphore_mem>>)
    %mul3A_92 = arith.constant 640 : i32
    %mul3A_93 = arith.muli %arg1, %mul3A_92 : i32
    %add3A_94 = arith.constant 480 : i32
    %add3A_95 = arith.addi %mul3A_93, %add3A_94 : i32
    %dma_start3A_96 = arith.constant 0 : i32
    %dma_start3A_97 = arith.constant 0 : i32
    %dma_start3A_98 = tpu.memref_slice %arg10[%dma_start3A_96, %dma_start3A_97] : memref<80x128xf32, #tpu.memory_space<vmem>> -> memref<80x128xf32, #tpu.memory_space<vmem>>
    %dma_start3A_99 = arith.constant 0 : i32
    %dma_start3A_100 = tpu.memref_slice %arg15[%add3A_95, %dma_start3A_99] : memref<10240x128xf32, #tpu.memory_space<vmem_shared>> -> memref<80x128xf32, #tpu.memory_space<vmem_shared>>
    %dma_start3A_101 = arith.constant 0 : i32
    %dma_start3A_102 = tpu.memref_slice %arg15[%add3A_95, %dma_start3A_101] : memref<10240x128xf32, #tpu.memory_space<vmem_shared>> -> memref<80x128xf32, #tpu.memory_space<vmem_shared>>
    %dma_start3A_103 = arith.constant 0 : i32
    %dma_start3A_104 = arith.constant 0 : i32
    %dma_start3A_105 = tpu.memref_slice %arg10[%dma_start3A_103, %dma_start3A_104] : memref<80x128xf32, #tpu.memory_space<vmem>> -> memref<80x128xf32, #tpu.memory_space<vmem>>
    tpu.enqueue_dma source(%dma_start3A_105 : memref<80x128xf32, #tpu.memory_space<vmem>>) target(%dma_start3A_102 : memref<80x128xf32, #tpu.memory_space<vmem_shared>>) target_semaphore(%arg22 : memref<!tpu.dma_semaphore, #tpu.memory_space<semaphore_mem>>)
    %mul3A_106 = arith.constant 640 : i32
    %mul3A_107 = arith.muli %arg1, %mul3A_106 : i32
    %add3A_108 = arith.constant 560 : i32
    %add3A_109 = arith.addi %mul3A_107, %add3A_108 : i32
    %dma_start3A_110 = arith.constant 0 : i32
    %dma_start3A_111 = arith.constant 0 : i32
    %dma_start3A_112 = tpu.memref_slice %arg10[%dma_start3A_110, %dma_start3A_111] : memref<80x128xf32, #tpu.memory_space<vmem>> -> memref<80x128xf32, #tpu.memory_space<vmem>>
    %dma_start3A_113 = arith.constant 0 : i32
    %dma_start3A_114 = tpu.memref_slice %arg15[%add3A_109, %dma_start3A_113] : memref<10240x128xf32, #tpu.memory_space<vmem_shared>> -> memref<80x128xf32, #tpu.memory_space<vmem_shared>>
    %dma_start3A_115 = arith.constant 0 : i32
    %dma_start3A_116 = tpu.memref_slice %arg15[%add3A_109, %dma_start3A_115] : memref<10240x128xf32, #tpu.memory_space<vmem_shared>> -> memref<80x128xf32, #tpu.memory_space<vmem_shared>>
    %dma_start3A_117 = arith.constant 0 : i32
    %dma_start3A_118 = arith.constant 0 : i32
    %dma_start3A_119 = tpu.memref_slice %arg10[%dma_start3A_117, %dma_start3A_118] : memref<80x128xf32, #tpu.memory_space<vmem>> -> memref<80x128xf32, #tpu.memory_space<vmem>>
    tpu.enqueue_dma source(%dma_start3A_119 : memref<80x128xf32, #tpu.memory_space<vmem>>) target(%dma_start3A_116 : memref<80x128xf32, #tpu.memory_space<vmem_shared>>) target_semaphore(%arg22 : memref<!tpu.dma_semaphore, #tpu.memory_space<semaphore_mem>>)
    "tpu.region"() ({
      %run_scoped3A = tpu.sem_alloc : memref<!tpu.dma_semaphore, #tpu.memory_space<semaphore_mem>>
      tpu.enqueue_dma source(%arg5 : memref<640xf32, #tpu.memory_space<hbm>>) target(%arg14 : memref<640xf32, #tpu.memory_space<vmem>>) target_semaphore(%run_scoped3A : memref<!tpu.dma_semaphore, #tpu.memory_space<semaphore_mem>>)
      tpu.wait_dma2 semaphore(%run_scoped3A : memref<!tpu.dma_semaphore, #tpu.memory_space<semaphore_mem>>) src(%arg5 : memref<640xf32, #tpu.memory_space<hbm>>) dst(%arg14 : memref<640xf32, #tpu.memory_space<vmem>>)
      tpu.yield
    }) : () -> ()
    %mul3A_120 = arith.constant 640 : i32
    %mul3A_121 = arith.muli %arg1, %mul3A_120 : i32
    "tpu.region"() ({
      %run_scoped3A = tpu.sem_alloc : memref<!tpu.dma_semaphore, #tpu.memory_space<semaphore_mem>>
      %dma_start3A_534 = tpu.memref_slice %arg16[%mul3A_121] : memref<10240xf32, #tpu.memory_space<vmem_shared>> -> memref<640xf32, #tpu.memory_space<vmem_shared>>
      %dma_start3A_535 = tpu.memref_slice %arg16[%mul3A_121] : memref<10240xf32, #tpu.memory_space<vmem_shared>> -> memref<640xf32, #tpu.memory_space<vmem_shared>>
      tpu.enqueue_dma source(%arg14 : memref<640xf32, #tpu.memory_space<vmem>>) target(%dma_start3A_535 : memref<640xf32, #tpu.memory_space<vmem_shared>>) target_semaphore(%run_scoped3A : memref<!tpu.dma_semaphore, #tpu.memory_space<semaphore_mem>>)
      %dma_wait3A_536 = tpu.memref_slice %arg16[%mul3A_121] : memref<10240xf32, #tpu.memory_space<vmem_shared>> -> memref<640xf32, #tpu.memory_space<vmem_shared>>
      %dma_wait3A_537 = tpu.memref_slice %arg16[%mul3A_121] : memref<10240xf32, #tpu.memory_space<vmem_shared>> -> memref<640xf32, #tpu.memory_space<vmem_shared>>
      tpu.wait_dma2 semaphore(%run_scoped3A : memref<!tpu.dma_semaphore, #tpu.memory_space<semaphore_mem>>) src(%arg14 : memref<640xf32, #tpu.memory_space<vmem>>) dst(%dma_wait3A_537 : memref<640xf32, #tpu.memory_space<vmem_shared>>)
      tpu.yield
    }) : () -> ()
    %dma_wait3A = arith.constant 0 : i32
    %dma_wait3A_122 = arith.constant 0 : i32
    %dma_wait3A_123 = tpu.memref_slice %arg10[%dma_wait3A, %dma_wait3A_122] : memref<80x128xf32, #tpu.memory_space<vmem>> -> memref<80x128xf32, #tpu.memory_space<vmem>>
    %dma_wait3A_124 = arith.constant 0 : i32
    %dma_wait3A_125 = tpu.memref_slice %arg15[%add3A_11, %dma_wait3A_124] : memref<10240x128xf32, #tpu.memory_space<vmem_shared>> -> memref<80x128xf32, #tpu.memory_space<vmem_shared>>
    %dma_wait3A_126 = arith.constant 0 : i32
    %dma_wait3A_127 = tpu.memref_slice %arg15[%add3A_11, %dma_wait3A_126] : memref<10240x128xf32, #tpu.memory_space<vmem_shared>> -> memref<80x128xf32, #tpu.memory_space<vmem_shared>>
    %dma_wait3A_128 = arith.constant 0 : i32
    %dma_wait3A_129 = arith.constant 0 : i32
    %dma_wait3A_130 = tpu.memref_slice %arg10[%dma_wait3A_128, %dma_wait3A_129] : memref<80x128xf32, #tpu.memory_space<vmem>> -> memref<80x128xf32, #tpu.memory_space<vmem>>
    tpu.wait_dma2 semaphore(%arg22 : memref<!tpu.dma_semaphore, #tpu.memory_space<semaphore_mem>>) src(%dma_wait3A_130 : memref<80x128xf32, #tpu.memory_space<vmem>>) dst(%dma_wait3A_127 : memref<80x128xf32, #tpu.memory_space<vmem_shared>>)
    %dma_wait3A_131 = arith.constant 0 : i32
    %dma_wait3A_132 = arith.constant 0 : i32
    %dma_wait3A_133 = tpu.memref_slice %arg10[%dma_wait3A_131, %dma_wait3A_132] : memref<80x128xf32, #tpu.memory_space<vmem>> -> memref<80x128xf32, #tpu.memory_space<vmem>>
    %dma_wait3A_134 = arith.constant 0 : i32
    %dma_wait3A_135 = tpu.memref_slice %arg15[%add3A_25, %dma_wait3A_134] : memref<10240x128xf32, #tpu.memory_space<vmem_shared>> -> memref<80x128xf32, #tpu.memory_space<vmem_shared>>
    %dma_wait3A_136 = arith.constant 0 : i32
    %dma_wait3A_137 = tpu.memref_slice %arg15[%add3A_25, %dma_wait3A_136] : memref<10240x128xf32, #tpu.memory_space<vmem_shared>> -> memref<80x128xf32, #tpu.memory_space<vmem_shared>>
    %dma_wait3A_138 = arith.constant 0 : i32
    %dma_wait3A_139 = arith.constant 0 : i32
    %dma_wait3A_140 = tpu.memref_slice %arg10[%dma_wait3A_138, %dma_wait3A_139] : memref<80x128xf32, #tpu.memory_space<vmem>> -> memref<80x128xf32, #tpu.memory_space<vmem>>
    tpu.wait_dma2 semaphore(%arg22 : memref<!tpu.dma_semaphore, #tpu.memory_space<semaphore_mem>>) src(%dma_wait3A_140 : memref<80x128xf32, #tpu.memory_space<vmem>>) dst(%dma_wait3A_137 : memref<80x128xf32, #tpu.memory_space<vmem_shared>>)
    %dma_wait3A_141 = arith.constant 0 : i32
    %dma_wait3A_142 = arith.constant 0 : i32
    %dma_wait3A_143 = tpu.memref_slice %arg10[%dma_wait3A_141, %dma_wait3A_142] : memref<80x128xf32, #tpu.memory_space<vmem>> -> memref<80x128xf32, #tpu.memory_space<vmem>>
    %dma_wait3A_144 = arith.constant 0 : i32
    %dma_wait3A_145 = tpu.memref_slice %arg15[%add3A_39, %dma_wait3A_144] : memref<10240x128xf32, #tpu.memory_space<vmem_shared>> -> memref<80x128xf32, #tpu.memory_space<vmem_shared>>
    %dma_wait3A_146 = arith.constant 0 : i32
    %dma_wait3A_147 = tpu.memref_slice %arg15[%add3A_39, %dma_wait3A_146] : memref<10240x128xf32, #tpu.memory_space<vmem_shared>> -> memref<80x128xf32, #tpu.memory_space<vmem_shared>>
    %dma_wait3A_148 = arith.constant 0 : i32
    %dma_wait3A_149 = arith.constant 0 : i32
    %dma_wait3A_150 = tpu.memref_slice %arg10[%dma_wait3A_148, %dma_wait3A_149] : memref<80x128xf32, #tpu.memory_space<vmem>> -> memref<80x128xf32, #tpu.memory_space<vmem>>
    tpu.wait_dma2 semaphore(%arg22 : memref<!tpu.dma_semaphore, #tpu.memory_space<semaphore_mem>>) src(%dma_wait3A_150 : memref<80x128xf32, #tpu.memory_space<vmem>>) dst(%dma_wait3A_147 : memref<80x128xf32, #tpu.memory_space<vmem_shared>>)
    %dma_wait3A_151 = arith.constant 0 : i32
    %dma_wait3A_152 = arith.constant 0 : i32
    %dma_wait3A_153 = tpu.memref_slice %arg10[%dma_wait3A_151, %dma_wait3A_152] : memref<80x128xf32, #tpu.memory_space<vmem>> -> memref<80x128xf32, #tpu.memory_space<vmem>>
    %dma_wait3A_154 = arith.constant 0 : i32
    %dma_wait3A_155 = tpu.memref_slice %arg15[%add3A_53, %dma_wait3A_154] : memref<10240x128xf32, #tpu.memory_space<vmem_shared>> -> memref<80x128xf32, #tpu.memory_space<vmem_shared>>
    %dma_wait3A_156 = arith.constant 0 : i32
    %dma_wait3A_157 = tpu.memref_slice %arg15[%add3A_53, %dma_wait3A_156] : memref<10240x128xf32, #tpu.memory_space<vmem_shared>> -> memref<80x128xf32, #tpu.memory_space<vmem_shared>>
    %dma_wait3A_158 = arith.constant 0 : i32
    %dma_wait3A_159 = arith.constant 0 : i32
    %dma_wait3A_160 = tpu.memref_slice %arg10[%dma_wait3A_158, %dma_wait3A_159] : memref<80x128xf32, #tpu.memory_space<vmem>> -> memref<80x128xf32, #tpu.memory_space<vmem>>
    tpu.wait_dma2 semaphore(%arg22 : memref<!tpu.dma_semaphore, #tpu.memory_space<semaphore_mem>>) src(%dma_wait3A_160 : memref<80x128xf32, #tpu.memory_space<vmem>>) dst(%dma_wait3A_157 : memref<80x128xf32, #tpu.memory_space<vmem_shared>>)
    %dma_wait3A_161 = arith.constant 0 : i32
    %dma_wait3A_162 = arith.constant 0 : i32
    %dma_wait3A_163 = tpu.memref_slice %arg10[%dma_wait3A_161, %dma_wait3A_162] : memref<80x128xf32, #tpu.memory_space<vmem>> -> memref<80x128xf32, #tpu.memory_space<vmem>>
    %dma_wait3A_164 = arith.constant 0 : i32
    %dma_wait3A_165 = tpu.memref_slice %arg15[%add3A_67, %dma_wait3A_164] : memref<10240x128xf32, #tpu.memory_space<vmem_shared>> -> memref<80x128xf32, #tpu.memory_space<vmem_shared>>
    %dma_wait3A_166 = arith.constant 0 : i32
    %dma_wait3A_167 = tpu.memref_slice %arg15[%add3A_67, %dma_wait3A_166] : memref<10240x128xf32, #tpu.memory_space<vmem_shared>> -> memref<80x128xf32, #tpu.memory_space<vmem_shared>>
    %dma_wait3A_168 = arith.constant 0 : i32
    %dma_wait3A_169 = arith.constant 0 : i32
    %dma_wait3A_170 = tpu.memref_slice %arg10[%dma_wait3A_168, %dma_wait3A_169] : memref<80x128xf32, #tpu.memory_space<vmem>> -> memref<80x128xf32, #tpu.memory_space<vmem>>
    tpu.wait_dma2 semaphore(%arg22 : memref<!tpu.dma_semaphore, #tpu.memory_space<semaphore_mem>>) src(%dma_wait3A_170 : memref<80x128xf32, #tpu.memory_space<vmem>>) dst(%dma_wait3A_167 : memref<80x128xf32, #tpu.memory_space<vmem_shared>>)
    %dma_wait3A_171 = arith.constant 0 : i32
    %dma_wait3A_172 = arith.constant 0 : i32
    %dma_wait3A_173 = tpu.memref_slice %arg10[%dma_wait3A_171, %dma_wait3A_172] : memref<80x128xf32, #tpu.memory_space<vmem>> -> memref<80x128xf32, #tpu.memory_space<vmem>>
    %dma_wait3A_174 = arith.constant 0 : i32
    %dma_wait3A_175 = tpu.memref_slice %arg15[%add3A_81, %dma_wait3A_174] : memref<10240x128xf32, #tpu.memory_space<vmem_shared>> -> memref<80x128xf32, #tpu.memory_space<vmem_shared>>
    %dma_wait3A_176 = arith.constant 0 : i32
    %dma_wait3A_177 = tpu.memref_slice %arg15[%add3A_81, %dma_wait3A_176] : memref<10240x128xf32, #tpu.memory_space<vmem_shared>> -> memref<80x128xf32, #tpu.memory_space<vmem_shared>>
    %dma_wait3A_178 = arith.constant 0 : i32
    %dma_wait3A_179 = arith.constant 0 : i32
    %dma_wait3A_180 = tpu.memref_slice %arg10[%dma_wait3A_178, %dma_wait3A_179] : memref<80x128xf32, #tpu.memory_space<vmem>> -> memref<80x128xf32, #tpu.memory_space<vmem>>
    tpu.wait_dma2 semaphore(%arg22 : memref<!tpu.dma_semaphore, #tpu.memory_space<semaphore_mem>>) src(%dma_wait3A_180 : memref<80x128xf32, #tpu.memory_space<vmem>>) dst(%dma_wait3A_177 : memref<80x128xf32, #tpu.memory_space<vmem_shared>>)
    %dma_wait3A_181 = arith.constant 0 : i32
    %dma_wait3A_182 = arith.constant 0 : i32
    %dma_wait3A_183 = tpu.memref_slice %arg10[%dma_wait3A_181, %dma_wait3A_182] : memref<80x128xf32, #tpu.memory_space<vmem>> -> memref<80x128xf32, #tpu.memory_space<vmem>>
    %dma_wait3A_184 = arith.constant 0 : i32
    %dma_wait3A_185 = tpu.memref_slice %arg15[%add3A_95, %dma_wait3A_184] : memref<10240x128xf32, #tpu.memory_space<vmem_shared>> -> memref<80x128xf32, #tpu.memory_space<vmem_shared>>
    %dma_wait3A_186 = arith.constant 0 : i32
    %dma_wait3A_187 = tpu.memref_slice %arg15[%add3A_95, %dma_wait3A_186] : memref<10240x128xf32, #tpu.memory_space<vmem_shared>> -> memref<80x128xf32, #tpu.memory_space<vmem_shared>>
    %dma_wait3A_188 = arith.constant 0 : i32
    %dma_wait3A_189 = arith.constant 0 : i32
    %dma_wait3A_190 = tpu.memref_slice %arg10[%dma_wait3A_188, %dma_wait3A_189] : memref<80x128xf32, #tpu.memory_space<vmem>> -> memref<80x128xf32, #tpu.memory_space<vmem>>
    tpu.wait_dma2 semaphore(%arg22 : memref<!tpu.dma_semaphore, #tpu.memory_space<semaphore_mem>>) src(%dma_wait3A_190 : memref<80x128xf32, #tpu.memory_space<vmem>>) dst(%dma_wait3A_187 : memref<80x128xf32, #tpu.memory_space<vmem_shared>>)
    %dma_wait3A_191 = arith.constant 0 : i32
    %dma_wait3A_192 = arith.constant 0 : i32
    %dma_wait3A_193 = tpu.memref_slice %arg10[%dma_wait3A_191, %dma_wait3A_192] : memref<80x128xf32, #tpu.memory_space<vmem>> -> memref<80x128xf32, #tpu.memory_space<vmem>>
    %dma_wait3A_194 = arith.constant 0 : i32
    %dma_wait3A_195 = tpu.memref_slice %arg15[%add3A_109, %dma_wait3A_194] : memref<10240x128xf32, #tpu.memory_space<vmem_shared>> -> memref<80x128xf32, #tpu.memory_space<vmem_shared>>
    %dma_wait3A_196 = arith.constant 0 : i32
    %dma_wait3A_197 = tpu.memref_slice %arg15[%add3A_109, %dma_wait3A_196] : memref<10240x128xf32, #tpu.memory_space<vmem_shared>> -> memref<80x128xf32, #tpu.memory_space<vmem_shared>>
    %dma_wait3A_198 = arith.constant 0 : i32
    %dma_wait3A_199 = arith.constant 0 : i32
    %dma_wait3A_200 = tpu.memref_slice %arg10[%dma_wait3A_198, %dma_wait3A_199] : memref<80x128xf32, #tpu.memory_space<vmem>> -> memref<80x128xf32, #tpu.memory_space<vmem>>
    tpu.wait_dma2 semaphore(%arg22 : memref<!tpu.dma_semaphore, #tpu.memory_space<semaphore_mem>>) src(%dma_wait3A_200 : memref<80x128xf32, #tpu.memory_space<vmem>>) dst(%dma_wait3A_197 : memref<80x128xf32, #tpu.memory_space<vmem_shared>>)
    %dma_wait3A_201 = arith.constant 0 : i32
    %dma_wait3A_202 = arith.constant 0 : i32
    %dma_wait3A_203 = tpu.memref_slice %arg3[%add3A, %dma_wait3A_201, %dma_wait3A_202] : memref<32x125x80xi32, #tpu.memory_space<hbm>> -> memref<1x125x80xi32, #tpu.memory_space<hbm>>
    %dma_wait3A_204 = tpu.memref_squeeze %dma_wait3A_203 : memref<1x125x80xi32, #tpu.memory_space<hbm>> -> memref<125x80xi32, #tpu.memory_space<hbm>>
    %dma_wait3A_205 = arith.constant 0 : i32
    %dma_wait3A_206 = arith.constant 0 : i32
    %dma_wait3A_207 = tpu.memref_slice %arg3[%add3A, %dma_wait3A_205, %dma_wait3A_206] : memref<32x125x80xi32, #tpu.memory_space<hbm>> -> memref<1x125x80xi32, #tpu.memory_space<hbm>>
    %dma_wait3A_208 = tpu.memref_squeeze %dma_wait3A_207 : memref<1x125x80xi32, #tpu.memory_space<hbm>> -> memref<125x80xi32, #tpu.memory_space<hbm>>
    tpu.wait_dma2 semaphore(%arg18 : memref<!tpu.dma_semaphore, #tpu.memory_space<semaphore_mem>>) src(%dma_wait3A_208 : memref<125x80xi32, #tpu.memory_space<hbm>>) dst(%arg9 : memref<125x80xi32, #tpu.memory_space<vmem>>)
    tpu.wait_dma2 semaphore(%arg19 : memref<!tpu.dma_semaphore, #tpu.memory_space<semaphore_mem>>) src(%arg6 : memref<80xf32, #tpu.memory_space<hbm>>) dst(%arg13 : memref<80xf32, #tpu.memory_space<vmem>>)
    %barrier3A = arith.constant 0 : index
    tpu.barrier barrier_id(%barrier3A)
    %mul3A_209 = arith.constant 10000 : i32
    %mul3A_210 = arith.muli %add3A, %mul3A_209 : i32
    %add3A_211 = arith.constant 0 : i32
    %add3A_212 = arith.addi %mul3A_210, %add3A_211 : i32
    %dma_start3A_213 = arith.constant 0 : i32
    %dma_start3A_214 = tpu.memref_slice %arg2[%add3A_212, %dma_start3A_213] : memref<320000x128xf32, #tpu.memory_space<hbm>> -> memref<80x128xf32, #tpu.memory_space<hbm>>
    %dma_start3A_215 = arith.constant 0 : i32
    %dma_start3A_216 = tpu.memref_slice %arg2[%add3A_212, %dma_start3A_215] : memref<320000x128xf32, #tpu.memory_space<hbm>> -> memref<80x128xf32, #tpu.memory_space<hbm>>
    tpu.enqueue_dma source(%dma_start3A_216 : memref<80x128xf32, #tpu.memory_space<hbm>>) target(%arg10 : memref<80x128xf32, #tpu.memory_space<vmem>>) target_semaphore(%arg17 : memref<!tpu.dma_semaphore, #tpu.memory_space<semaphore_mem>>)
    %scan3A = arith.constant 0 : i32
    %scan3A_217 = arith.constant 0 : i32
    %scan3A_218 = arith.constant 41 : i32
    %scan3A_219 = arith.addi %scan3A_217, %scan3A_218 : i32
    %scan3A_220 = arith.constant 1 : i32
    scf.for %scan3A_534 = %scan3A_217 to %scan3A_219 step %scan3A_220  : i32 {
      %mul3A_535 = arith.constant 3 : i32
      %mul3A_536 = arith.muli %mul3A_535, %scan3A_534 : i32
      %dma_wait3A_537 = arith.constant 0 : i32
      %dma_wait3A_538 = arith.constant 0 : i32
      %dma_wait3A_539 = tpu.memref_slice %arg2[%dma_wait3A_537, %dma_wait3A_538] : memref<320000x128xf32, #tpu.memory_space<hbm>> -> memref<80x128xf32, #tpu.memory_space<hbm>>
      %dma_wait3A_540 = arith.constant 0 : i32
      %dma_wait3A_541 = arith.constant 0 : i32
      %dma_wait3A_542 = tpu.memref_slice %arg2[%dma_wait3A_540, %dma_wait3A_541] : memref<320000x128xf32, #tpu.memory_space<hbm>> -> memref<80x128xf32, #tpu.memory_space<hbm>>
      tpu.wait_dma2 semaphore(%arg17 : memref<!tpu.dma_semaphore, #tpu.memory_space<semaphore_mem>>) src(%dma_wait3A_542 : memref<80x128xf32, #tpu.memory_space<hbm>>) dst(%arg10 : memref<80x128xf32, #tpu.memory_space<vmem>>)
      %add3A_543 = arith.constant 1 : i32
      %add3A_544 = arith.addi %mul3A_536, %add3A_543 : i32
      %le3A = arith.constant 124 : i32
      %le3A_545 = arith.cmpi sle, %add3A_544, %le3A : i32
      %convert_element_type3A = arith.extui %le3A_545 : i1 to i32
      %cond3A = arith.constant 0 : i32
      %cond3A_546 = arith.cmpi ne, %convert_element_type3A, %cond3A : i32
      scf.if %cond3A_546 {
        %add3A_624 = arith.constant 1 : i32
        %add3A_625 = arith.addi %mul3A_536, %add3A_624 : i32
        %mul3A_626 = arith.constant 10000 : i32
        %mul3A_627 = arith.muli %add3A, %mul3A_626 : i32
        %mul3A_628 = arith.constant 80 : i32
        %mul3A_629 = arith.muli %add3A_625, %mul3A_628 : i32
        %add3A_630 = arith.addi %mul3A_627, %mul3A_629 : i32
        %dma_start3A_631 = arith.constant 0 : i32
        %dma_start3A_632 = tpu.memref_slice %arg2[%add3A_630, %dma_start3A_631] : memref<320000x128xf32, #tpu.memory_space<hbm>> -> memref<80x128xf32, #tpu.memory_space<hbm>>
        %dma_start3A_633 = arith.constant 0 : i32
        %dma_start3A_634 = tpu.memref_slice %arg2[%add3A_630, %dma_start3A_633] : memref<320000x128xf32, #tpu.memory_space<hbm>> -> memref<80x128xf32, #tpu.memory_space<hbm>>
        tpu.enqueue_dma source(%dma_start3A_634 : memref<80x128xf32, #tpu.memory_space<hbm>>) target(%arg11 : memref<80x128xf32, #tpu.memory_space<vmem>>) target_semaphore(%arg18 : memref<!tpu.dma_semaphore, #tpu.memory_space<semaphore_mem>>)
      } else {
      }
      %dma_start3A_547 = arith.constant 0 : i32
      %dma_start3A_548 = tpu.memref_slice %arg9[%mul3A_536, %dma_start3A_547] : memref<125x80xi32, #tpu.memory_space<vmem>> -> memref<1x80xi32, #tpu.memory_space<vmem>>
      %dma_start3A_549 = tpu.memref_squeeze %dma_start3A_548 : memref<1x80xi32, #tpu.memory_space<vmem>> -> memref<80xi32, #tpu.memory_space<vmem>>
      %dma_start3A_550 = arith.constant 0 : i32
      %dma_start3A_551 = arith.constant 0 : i32
      %dma_start3A_552 = tpu.memref_slice %arg15[%dma_start3A_550, %dma_start3A_551] : memref<10240x128xf32, #tpu.memory_space<vmem_shared>> -> memref<10240x128xf32, #tpu.memory_space<vmem_shared>>
      tpu.enqueue_indirect_dma source(%arg10 : memref<80x128xf32, #tpu.memory_space<vmem>>) target(%dma_start3A_552 : memref<10240x128xf32, #tpu.memory_space<vmem_shared>>) offsets(%dma_start3A_549 : memref<80xi32, #tpu.memory_space<vmem>>) semaphore(%arg20 : memref<!tpu.dma_semaphore, #tpu.memory_space<semaphore_mem>>) {add = true}
      %dma_start3A_553 = arith.constant 0 : i32
      %dma_start3A_554 = tpu.memref_slice %arg9[%mul3A_536, %dma_start3A_553] : memref<125x80xi32, #tpu.memory_space<vmem>> -> memref<1x80xi32, #tpu.memory_space<vmem>>
      %dma_start3A_555 = tpu.memref_squeeze %dma_start3A_554 : memref<1x80xi32, #tpu.memory_space<vmem>> -> memref<80xi32, #tpu.memory_space<vmem>>
      %dma_start3A_556 = arith.constant 0 : i32
      %dma_start3A_557 = tpu.memref_slice %arg16[%dma_start3A_556] : memref<10240xf32, #tpu.memory_space<vmem_shared>> -> memref<10240xf32, #tpu.memory_space<vmem_shared>>
      tpu.enqueue_indirect_dma source(%arg13 : memref<80xf32, #tpu.memory_space<vmem>>) target(%dma_start3A_557 : memref<10240xf32, #tpu.memory_space<vmem_shared>>) offsets(%dma_start3A_555 : memref<80xi32, #tpu.memory_space<vmem>>) semaphore(%arg21 : memref<!tpu.dma_semaphore, #tpu.memory_space<semaphore_mem>>) {add = true}
      %ge3A = arith.constant 1 : i32
      %ge3A_558 = arith.cmpi sge, %mul3A_536, %ge3A : i32
      %convert_element_type3A_559 = arith.extui %ge3A_558 : i1 to i32
      %cond3A_560 = arith.constant 0 : i32
      %cond3A_561 = arith.cmpi ne, %convert_element_type3A_559, %cond3A_560 : i32
      scf.if %cond3A_561 {
        %dma_wait3A_624 = arith.constant 0 : i32
        %dma_wait3A_625 = arith.constant 0 : i32
        %dma_wait3A_626 = tpu.memref_slice %arg9[%dma_wait3A_624, %dma_wait3A_625] : memref<125x80xi32, #tpu.memory_space<vmem>> -> memref<1x80xi32, #tpu.memory_space<vmem>>
        %dma_wait3A_627 = tpu.memref_squeeze %dma_wait3A_626 : memref<1x80xi32, #tpu.memory_space<vmem>> -> memref<80xi32, #tpu.memory_space<vmem>>
        %dma_wait3A_628 = arith.constant 0 : i32
        %dma_wait3A_629 = arith.constant 0 : i32
        %dma_wait3A_630 = tpu.memref_slice %arg15[%dma_wait3A_628, %dma_wait3A_629] : memref<10240x128xf32, #tpu.memory_space<vmem_shared>> -> memref<10240x128xf32, #tpu.memory_space<vmem_shared>>
        tpu.wait_indirect_dma semaphore(%arg20 : memref<!tpu.dma_semaphore, #tpu.memory_space<semaphore_mem>>) src(%arg10 : memref<80x128xf32, #tpu.memory_space<vmem>>) dst(%dma_wait3A_630 : memref<10240x128xf32, #tpu.memory_space<vmem_shared>>)
        %dma_wait3A_631 = arith.constant 0 : i32
        %dma_wait3A_632 = arith.constant 0 : i32
        %dma_wait3A_633 = tpu.memref_slice %arg9[%dma_wait3A_631, %dma_wait3A_632] : memref<125x80xi32, #tpu.memory_space<vmem>> -> memref<1x80xi32, #tpu.memory_space<vmem>>
        %dma_wait3A_634 = tpu.memref_squeeze %dma_wait3A_633 : memref<1x80xi32, #tpu.memory_space<vmem>> -> memref<80xi32, #tpu.memory_space<vmem>>
        %dma_wait3A_635 = arith.constant 0 : i32
        %dma_wait3A_636 = tpu.memref_slice %arg16[%dma_wait3A_635] : memref<10240xf32, #tpu.memory_space<vmem_shared>> -> memref<10240xf32, #tpu.memory_space<vmem_shared>>
        tpu.wait_indirect_dma semaphore(%arg21 : memref<!tpu.dma_semaphore, #tpu.memory_space<semaphore_mem>>) src(%arg13 : memref<80xf32, #tpu.memory_space<vmem>>) dst(%dma_wait3A_636 : memref<10240xf32, #tpu.memory_space<vmem_shared>>)
      } else {
      }
      %add3A_562 = arith.constant 1 : i32
      %add3A_563 = arith.addi %mul3A_536, %add3A_562 : i32
      %dma_wait3A_564 = arith.constant 0 : i32
      %dma_wait3A_565 = arith.constant 0 : i32
      %dma_wait3A_566 = tpu.memref_slice %arg2[%dma_wait3A_564, %dma_wait3A_565] : memref<320000x128xf32, #tpu.memory_space<hbm>> -> memref<80x128xf32, #tpu.memory_space<hbm>>
      %dma_wait3A_567 = arith.constant 0 : i32
      %dma_wait3A_568 = arith.constant 0 : i32
      %dma_wait3A_569 = tpu.memref_slice %arg2[%dma_wait3A_567, %dma_wait3A_568] : memref<320000x128xf32, #tpu.memory_space<hbm>> -> memref<80x128xf32, #tpu.memory_space<hbm>>
      tpu.wait_dma2 semaphore(%arg18 : memref<!tpu.dma_semaphore, #tpu.memory_space<semaphore_mem>>) src(%dma_wait3A_569 : memref<80x128xf32, #tpu.memory_space<hbm>>) dst(%arg11 : memref<80x128xf32, #tpu.memory_space<vmem>>)
      %add3A_570 = arith.constant 1 : i32
      %add3A_571 = arith.addi %add3A_563, %add3A_570 : i32
      %le3A_572 = arith.constant 124 : i32
      %le3A_573 = arith.cmpi sle, %add3A_571, %le3A_572 : i32
      %convert_element_type3A_574 = arith.extui %le3A_573 : i1 to i32
      %cond3A_575 = arith.constant 0 : i32
      %cond3A_576 = arith.cmpi ne, %convert_element_type3A_574, %cond3A_575 : i32
      scf.if %cond3A_576 {
        %add3A_624 = arith.constant 1 : i32
        %add3A_625 = arith.addi %add3A_563, %add3A_624 : i32
        %mul3A_626 = arith.constant 10000 : i32
        %mul3A_627 = arith.muli %add3A, %mul3A_626 : i32
        %mul3A_628 = arith.constant 80 : i32
        %mul3A_629 = arith.muli %add3A_625, %mul3A_628 : i32
        %add3A_630 = arith.addi %mul3A_627, %mul3A_629 : i32
        %dma_start3A_631 = arith.constant 0 : i32
        %dma_start3A_632 = tpu.memref_slice %arg2[%add3A_630, %dma_start3A_631] : memref<320000x128xf32, #tpu.memory_space<hbm>> -> memref<80x128xf32, #tpu.memory_space<hbm>>
        %dma_start3A_633 = arith.constant 0 : i32
        %dma_start3A_634 = tpu.memref_slice %arg2[%add3A_630, %dma_start3A_633] : memref<320000x128xf32, #tpu.memory_space<hbm>> -> memref<80x128xf32, #tpu.memory_space<hbm>>
        tpu.enqueue_dma source(%dma_start3A_634 : memref<80x128xf32, #tpu.memory_space<hbm>>) target(%arg12 : memref<80x128xf32, #tpu.memory_space<vmem>>) target_semaphore(%arg19 : memref<!tpu.dma_semaphore, #tpu.memory_space<semaphore_mem>>)
      } else {
      }
      %dma_start3A_577 = arith.constant 0 : i32
      %dma_start3A_578 = tpu.memref_slice %arg9[%add3A_563, %dma_start3A_577] : memref<125x80xi32, #tpu.memory_space<vmem>> -> memref<1x80xi32, #tpu.memory_space<vmem>>
      %dma_start3A_579 = tpu.memref_squeeze %dma_start3A_578 : memref<1x80xi32, #tpu.memory_space<vmem>> -> memref<80xi32, #tpu.memory_space<vmem>>
      %dma_start3A_580 = arith.constant 0 : i32
      %dma_start3A_581 = arith.constant 0 : i32
      %dma_start3A_582 = tpu.memref_slice %arg15[%dma_start3A_580, %dma_start3A_581] : memref<10240x128xf32, #tpu.memory_space<vmem_shared>> -> memref<10240x128xf32, #tpu.memory_space<vmem_shared>>
      tpu.enqueue_indirect_dma source(%arg11 : memref<80x128xf32, #tpu.memory_space<vmem>>) target(%dma_start3A_582 : memref<10240x128xf32, #tpu.memory_space<vmem_shared>>) offsets(%dma_start3A_579 : memref<80xi32, #tpu.memory_space<vmem>>) semaphore(%arg20 : memref<!tpu.dma_semaphore, #tpu.memory_space<semaphore_mem>>) {add = true}
      %dma_start3A_583 = arith.constant 0 : i32
      %dma_start3A_584 = tpu.memref_slice %arg9[%add3A_563, %dma_start3A_583] : memref<125x80xi32, #tpu.memory_space<vmem>> -> memref<1x80xi32, #tpu.memory_space<vmem>>
      %dma_start3A_585 = tpu.memref_squeeze %dma_start3A_584 : memref<1x80xi32, #tpu.memory_space<vmem>> -> memref<80xi32, #tpu.memory_space<vmem>>
      %dma_start3A_586 = arith.constant 0 : i32
      %dma_start3A_587 = tpu.memref_slice %arg16[%dma_start3A_586] : memref<10240xf32, #tpu.memory_space<vmem_shared>> -> memref<10240xf32, #tpu.memory_space<vmem_shared>>
      tpu.enqueue_indirect_dma source(%arg13 : memref<80xf32, #tpu.memory_space<vmem>>) target(%dma_start3A_587 : memref<10240xf32, #tpu.memory_space<vmem_shared>>) offsets(%dma_start3A_585 : memref<80xi32, #tpu.memory_space<vmem>>) semaphore(%arg21 : memref<!tpu.dma_semaphore, #tpu.memory_space<semaphore_mem>>) {add = true}
      %ge3A_588 = arith.constant 1 : i32
      %ge3A_589 = arith.cmpi sge, %add3A_563, %ge3A_588 : i32
      %convert_element_type3A_590 = arith.extui %ge3A_589 : i1 to i32
      %cond3A_591 = arith.constant 0 : i32
      %cond3A_592 = arith.cmpi ne, %convert_element_type3A_590, %cond3A_591 : i32
      scf.if %cond3A_592 {
        %dma_wait3A_624 = arith.constant 0 : i32
        %dma_wait3A_625 = arith.constant 0 : i32
        %dma_wait3A_626 = tpu.memref_slice %arg9[%dma_wait3A_624, %dma_wait3A_625] : memref<125x80xi32, #tpu.memory_space<vmem>> -> memref<1x80xi32, #tpu.memory_space<vmem>>
        %dma_wait3A_627 = tpu.memref_squeeze %dma_wait3A_626 : memref<1x80xi32, #tpu.memory_space<vmem>> -> memref<80xi32, #tpu.memory_space<vmem>>
        %dma_wait3A_628 = arith.constant 0 : i32
        %dma_wait3A_629 = arith.constant 0 : i32
        %dma_wait3A_630 = tpu.memref_slice %arg15[%dma_wait3A_628, %dma_wait3A_629] : memref<10240x128xf32, #tpu.memory_space<vmem_shared>> -> memref<10240x128xf32, #tpu.memory_space<vmem_shared>>
        tpu.wait_indirect_dma semaphore(%arg20 : memref<!tpu.dma_semaphore, #tpu.memory_space<semaphore_mem>>) src(%arg10 : memref<80x128xf32, #tpu.memory_space<vmem>>) dst(%dma_wait3A_630 : memref<10240x128xf32, #tpu.memory_space<vmem_shared>>)
        %dma_wait3A_631 = arith.constant 0 : i32
        %dma_wait3A_632 = arith.constant 0 : i32
        %dma_wait3A_633 = tpu.memref_slice %arg9[%dma_wait3A_631, %dma_wait3A_632] : memref<125x80xi32, #tpu.memory_space<vmem>> -> memref<1x80xi32, #tpu.memory_space<vmem>>
        %dma_wait3A_634 = tpu.memref_squeeze %dma_wait3A_633 : memref<1x80xi32, #tpu.memory_space<vmem>> -> memref<80xi32, #tpu.memory_space<vmem>>
        %dma_wait3A_635 = arith.constant 0 : i32
        %dma_wait3A_636 = tpu.memref_slice %arg16[%dma_wait3A_635] : memref<10240xf32, #tpu.memory_space<vmem_shared>> -> memref<10240xf32, #tpu.memory_space<vmem_shared>>
        tpu.wait_indirect_dma semaphore(%arg21 : memref<!tpu.dma_semaphore, #tpu.memory_space<semaphore_mem>>) src(%arg13 : memref<80xf32, #tpu.memory_space<vmem>>) dst(%dma_wait3A_636 : memref<10240xf32, #tpu.memory_space<vmem_shared>>)
      } else {
      }
      %add3A_593 = arith.constant 2 : i32
      %add3A_594 = arith.addi %mul3A_536, %add3A_593 : i32
      %dma_wait3A_595 = arith.constant 0 : i32
      %dma_wait3A_596 = arith.constant 0 : i32
      %dma_wait3A_597 = tpu.memref_slice %arg2[%dma_wait3A_595, %dma_wait3A_596] : memref<320000x128xf32, #tpu.memory_space<hbm>> -> memref<80x128xf32, #tpu.memory_space<hbm>>
      %dma_wait3A_598 = arith.constant 0 : i32
      %dma_wait3A_599 = arith.constant 0 : i32
      %dma_wait3A_600 = tpu.memref_slice %arg2[%dma_wait3A_598, %dma_wait3A_599] : memref<320000x128xf32, #tpu.memory_space<hbm>> -> memref<80x128xf32, #tpu.memory_space<hbm>>
      tpu.wait_dma2 semaphore(%arg19 : memref<!tpu.dma_semaphore, #tpu.memory_space<semaphore_mem>>) src(%dma_wait3A_600 : memref<80x128xf32, #tpu.memory_space<hbm>>) dst(%arg12 : memref<80x128xf32, #tpu.memory_space<vmem>>)
      %add3A_601 = arith.constant 1 : i32
      %add3A_602 = arith.addi %add3A_594, %add3A_601 : i32
      %le3A_603 = arith.constant 124 : i32
      %le3A_604 = arith.cmpi sle, %add3A_602, %le3A_603 : i32
      %convert_element_type3A_605 = arith.extui %le3A_604 : i1 to i32
      %cond3A_606 = arith.constant 0 : i32
      %cond3A_607 = arith.cmpi ne, %convert_element_type3A_605, %cond3A_606 : i32
      scf.if %cond3A_607 {
        %add3A_624 = arith.constant 1 : i32
        %add3A_625 = arith.addi %add3A_594, %add3A_624 : i32
        %mul3A_626 = arith.constant 10000 : i32
        %mul3A_627 = arith.muli %add3A, %mul3A_626 : i32
        %mul3A_628 = arith.constant 80 : i32
        %mul3A_629 = arith.muli %add3A_625, %mul3A_628 : i32
        %add3A_630 = arith.addi %mul3A_627, %mul3A_629 : i32
        %dma_start3A_631 = arith.constant 0 : i32
        %dma_start3A_632 = tpu.memref_slice %arg2[%add3A_630, %dma_start3A_631] : memref<320000x128xf32, #tpu.memory_space<hbm>> -> memref<80x128xf32, #tpu.memory_space<hbm>>
        %dma_start3A_633 = arith.constant 0 : i32
        %dma_start3A_634 = tpu.memref_slice %arg2[%add3A_630, %dma_start3A_633] : memref<320000x128xf32, #tpu.memory_space<hbm>> -> memref<80x128xf32, #tpu.memory_space<hbm>>
        tpu.enqueue_dma source(%dma_start3A_634 : memref<80x128xf32, #tpu.memory_space<hbm>>) target(%arg10 : memref<80x128xf32, #tpu.memory_space<vmem>>) target_semaphore(%arg17 : memref<!tpu.dma_semaphore, #tpu.memory_space<semaphore_mem>>)
      } else {
      }
      %dma_start3A_608 = arith.constant 0 : i32
      %dma_start3A_609 = tpu.memref_slice %arg9[%add3A_594, %dma_start3A_608] : memref<125x80xi32, #tpu.memory_space<vmem>> -> memref<1x80xi32, #tpu.memory_space<vmem>>
      %dma_start3A_610 = tpu.memref_squeeze %dma_start3A_609 : memref<1x80xi32, #tpu.memory_space<vmem>> -> memref<80xi32, #tpu.memory_space<vmem>>
      %dma_start3A_611 = arith.constant 0 : i32
      %dma_start3A_612 = arith.constant 0 : i32
      %dma_start3A_613 = tpu.memref_slice %arg15[%dma_start3A_611, %dma_start3A_612] : memref<10240x128xf32, #tpu.memory_space<vmem_shared>> -> memref<10240x128xf32, #tpu.memory_space<vmem_shared>>
      tpu.enqueue_indirect_dma source(%arg12 : memref<80x128xf32, #tpu.memory_space<vmem>>) target(%dma_start3A_613 : memref<10240x128xf32, #tpu.memory_space<vmem_shared>>) offsets(%dma_start3A_610 : memref<80xi32, #tpu.memory_space<vmem>>) semaphore(%arg20 : memref<!tpu.dma_semaphore, #tpu.memory_space<semaphore_mem>>) {add = true}
      %dma_start3A_614 = arith.constant 0 : i32
      %dma_start3A_615 = tpu.memref_slice %arg9[%add3A_594, %dma_start3A_614] : memref<125x80xi32, #tpu.memory_space<vmem>> -> memref<1x80xi32, #tpu.memory_space<vmem>>
      %dma_start3A_616 = tpu.memref_squeeze %dma_start3A_615 : memref<1x80xi32, #tpu.memory_space<vmem>> -> memref<80xi32, #tpu.memory_space<vmem>>
      %dma_start3A_617 = arith.constant 0 : i32
      %dma_start3A_618 = tpu.memref_slice %arg16[%dma_start3A_617] : memref<10240xf32, #tpu.memory_space<vmem_shared>> -> memref<10240xf32, #tpu.memory_space<vmem_shared>>
      tpu.enqueue_indirect_dma source(%arg13 : memref<80xf32, #tpu.memory_space<vmem>>) target(%dma_start3A_618 : memref<10240xf32, #tpu.memory_space<vmem_shared>>) offsets(%dma_start3A_616 : memref<80xi32, #tpu.memory_space<vmem>>) semaphore(%arg21 : memref<!tpu.dma_semaphore, #tpu.memory_space<semaphore_mem>>) {add = true}
      %ge3A_619 = arith.constant 1 : i32
      %ge3A_620 = arith.cmpi sge, %add3A_594, %ge3A_619 : i32
      %convert_element_type3A_621 = arith.extui %ge3A_620 : i1 to i32
      %cond3A_622 = arith.constant 0 : i32
      %cond3A_623 = arith.cmpi ne, %convert_element_type3A_621, %cond3A_622 : i32
      scf.if %cond3A_623 {
        %dma_wait3A_624 = arith.constant 0 : i32
        %dma_wait3A_625 = arith.constant 0 : i32
        %dma_wait3A_626 = tpu.memref_slice %arg9[%dma_wait3A_624, %dma_wait3A_625] : memref<125x80xi32, #tpu.memory_space<vmem>> -> memref<1x80xi32, #tpu.memory_space<vmem>>
        %dma_wait3A_627 = tpu.memref_squeeze %dma_wait3A_626 : memref<1x80xi32, #tpu.memory_space<vmem>> -> memref<80xi32, #tpu.memory_space<vmem>>
        %dma_wait3A_628 = arith.constant 0 : i32
        %dma_wait3A_629 = arith.constant 0 : i32
        %dma_wait3A_630 = tpu.memref_slice %arg15[%dma_wait3A_628, %dma_wait3A_629] : memref<10240x128xf32, #tpu.memory_space<vmem_shared>> -> memref<10240x128xf32, #tpu.memory_space<vmem_shared>>
        tpu.wait_indirect_dma semaphore(%arg20 : memref<!tpu.dma_semaphore, #tpu.memory_space<semaphore_mem>>) src(%arg10 : memref<80x128xf32, #tpu.memory_space<vmem>>) dst(%dma_wait3A_630 : memref<10240x128xf32, #tpu.memory_space<vmem_shared>>)
        %dma_wait3A_631 = arith.constant 0 : i32
        %dma_wait3A_632 = arith.constant 0 : i32
        %dma_wait3A_633 = tpu.memref_slice %arg9[%dma_wait3A_631, %dma_wait3A_632] : memref<125x80xi32, #tpu.memory_space<vmem>> -> memref<1x80xi32, #tpu.memory_space<vmem>>
        %dma_wait3A_634 = tpu.memref_squeeze %dma_wait3A_633 : memref<1x80xi32, #tpu.memory_space<vmem>> -> memref<80xi32, #tpu.memory_space<vmem>>
        %dma_wait3A_635 = arith.constant 0 : i32
        %dma_wait3A_636 = tpu.memref_slice %arg16[%dma_wait3A_635] : memref<10240xf32, #tpu.memory_space<vmem_shared>> -> memref<10240xf32, #tpu.memory_space<vmem_shared>>
        tpu.wait_indirect_dma semaphore(%arg21 : memref<!tpu.dma_semaphore, #tpu.memory_space<semaphore_mem>>) src(%arg13 : memref<80xf32, #tpu.memory_space<vmem>>) dst(%dma_wait3A_636 : memref<10240xf32, #tpu.memory_space<vmem_shared>>)
      } else {
      }
    }
    %scan3A_221 = arith.constant 41 : i32
    %dma_wait3A_222 = arith.constant 0 : i32
    %dma_wait3A_223 = arith.constant 0 : i32
    %dma_wait3A_224 = tpu.memref_slice %arg2[%dma_wait3A_222, %dma_wait3A_223] : memref<320000x128xf32, #tpu.memory_space<hbm>> -> memref<80x128xf32, #tpu.memory_space<hbm>>
    %dma_wait3A_225 = arith.constant 0 : i32
    %dma_wait3A_226 = arith.constant 0 : i32
    %dma_wait3A_227 = tpu.memref_slice %arg2[%dma_wait3A_225, %dma_wait3A_226] : memref<320000x128xf32, #tpu.memory_space<hbm>> -> memref<80x128xf32, #tpu.memory_space<hbm>>
    tpu.wait_dma2 semaphore(%arg17 : memref<!tpu.dma_semaphore, #tpu.memory_space<semaphore_mem>>) src(%dma_wait3A_227 : memref<80x128xf32, #tpu.memory_space<hbm>>) dst(%arg10 : memref<80x128xf32, #tpu.memory_space<vmem>>)
    %mul3A_228 = arith.constant 10000 : i32
    %mul3A_229 = arith.muli %add3A, %mul3A_228 : i32
    %add3A_230 = arith.constant 9920 : i32
    %add3A_231 = arith.addi %mul3A_229, %add3A_230 : i32
    %dma_start3A_232 = arith.constant 0 : i32
    %dma_start3A_233 = tpu.memref_slice %arg2[%add3A_231, %dma_start3A_232] : memref<320000x128xf32, #tpu.memory_space<hbm>> -> memref<80x128xf32, #tpu.memory_space<hbm>>
    %dma_start3A_234 = arith.constant 0 : i32
    %dma_start3A_235 = tpu.memref_slice %arg2[%add3A_231, %dma_start3A_234] : memref<320000x128xf32, #tpu.memory_space<hbm>> -> memref<80x128xf32, #tpu.memory_space<hbm>>
    tpu.enqueue_dma source(%dma_start3A_235 : memref<80x128xf32, #tpu.memory_space<hbm>>) target(%arg11 : memref<80x128xf32, #tpu.memory_space<vmem>>) target_semaphore(%arg18 : memref<!tpu.dma_semaphore, #tpu.memory_space<semaphore_mem>>)
    %dma_start3A_236 = arith.constant 123 : i32
    %dma_start3A_237 = arith.constant 0 : i32
    %dma_start3A_238 = tpu.memref_slice %arg9[%dma_start3A_236, %dma_start3A_237] : memref<125x80xi32, #tpu.memory_space<vmem>> -> memref<1x80xi32, #tpu.memory_space<vmem>>
    %dma_start3A_239 = tpu.memref_squeeze %dma_start3A_238 : memref<1x80xi32, #tpu.memory_space<vmem>> -> memref<80xi32, #tpu.memory_space<vmem>>
    %dma_start3A_240 = arith.constant 0 : i32
    %dma_start3A_241 = arith.constant 0 : i32
    %dma_start3A_242 = tpu.memref_slice %arg15[%dma_start3A_240, %dma_start3A_241] : memref<10240x128xf32, #tpu.memory_space<vmem_shared>> -> memref<10240x128xf32, #tpu.memory_space<vmem_shared>>
    tpu.enqueue_indirect_dma source(%arg10 : memref<80x128xf32, #tpu.memory_space<vmem>>) target(%dma_start3A_242 : memref<10240x128xf32, #tpu.memory_space<vmem_shared>>) offsets(%dma_start3A_239 : memref<80xi32, #tpu.memory_space<vmem>>) semaphore(%arg20 : memref<!tpu.dma_semaphore, #tpu.memory_space<semaphore_mem>>) {add = true}
    %dma_start3A_243 = arith.constant 123 : i32
    %dma_start3A_244 = arith.constant 0 : i32
    %dma_start3A_245 = tpu.memref_slice %arg9[%dma_start3A_243, %dma_start3A_244] : memref<125x80xi32, #tpu.memory_space<vmem>> -> memref<1x80xi32, #tpu.memory_space<vmem>>
    %dma_start3A_246 = tpu.memref_squeeze %dma_start3A_245 : memref<1x80xi32, #tpu.memory_space<vmem>> -> memref<80xi32, #tpu.memory_space<vmem>>
    %dma_start3A_247 = arith.constant 0 : i32
    %dma_start3A_248 = tpu.memref_slice %arg16[%dma_start3A_247] : memref<10240xf32, #tpu.memory_space<vmem_shared>> -> memref<10240xf32, #tpu.memory_space<vmem_shared>>
    tpu.enqueue_indirect_dma source(%arg13 : memref<80xf32, #tpu.memory_space<vmem>>) target(%dma_start3A_248 : memref<10240xf32, #tpu.memory_space<vmem_shared>>) offsets(%dma_start3A_246 : memref<80xi32, #tpu.memory_space<vmem>>) semaphore(%arg21 : memref<!tpu.dma_semaphore, #tpu.memory_space<semaphore_mem>>) {add = true}
    %dma_wait3A_249 = arith.constant 0 : i32
    %dma_wait3A_250 = arith.constant 0 : i32
    %dma_wait3A_251 = tpu.memref_slice %arg9[%dma_wait3A_249, %dma_wait3A_250] : memref<125x80xi32, #tpu.memory_space<vmem>> -> memref<1x80xi32, #tpu.memory_space<vmem>>
    %dma_wait3A_252 = tpu.memref_squeeze %dma_wait3A_251 : memref<1x80xi32, #tpu.memory_space<vmem>> -> memref<80xi32, #tpu.memory_space<vmem>>
    %dma_wait3A_253 = arith.constant 0 : i32
    %dma_wait3A_254 = arith.constant 0 : i32
    %dma_wait3A_255 = tpu.memref_slice %arg15[%dma_wait3A_253, %dma_wait3A_254] : memref<10240x128xf32, #tpu.memory_space<vmem_shared>> -> memref<10240x128xf32, #tpu.memory_space<vmem_shared>>
    tpu.wait_indirect_dma semaphore(%arg20 : memref<!tpu.dma_semaphore, #tpu.memory_space<semaphore_mem>>) src(%arg10 : memref<80x128xf32, #tpu.memory_space<vmem>>) dst(%dma_wait3A_255 : memref<10240x128xf32, #tpu.memory_space<vmem_shared>>)
    %dma_wait3A_256 = arith.constant 0 : i32
    %dma_wait3A_257 = arith.constant 0 : i32
    %dma_wait3A_258 = tpu.memref_slice %arg9[%dma_wait3A_256, %dma_wait3A_257] : memref<125x80xi32, #tpu.memory_space<vmem>> -> memref<1x80xi32, #tpu.memory_space<vmem>>
    %dma_wait3A_259 = tpu.memref_squeeze %dma_wait3A_258 : memref<1x80xi32, #tpu.memory_space<vmem>> -> memref<80xi32, #tpu.memory_space<vmem>>
    %dma_wait3A_260 = arith.constant 0 : i32
    %dma_wait3A_261 = tpu.memref_slice %arg16[%dma_wait3A_260] : memref<10240xf32, #tpu.memory_space<vmem_shared>> -> memref<10240xf32, #tpu.memory_space<vmem_shared>>
    tpu.wait_indirect_dma semaphore(%arg21 : memref<!tpu.dma_semaphore, #tpu.memory_space<semaphore_mem>>) src(%arg13 : memref<80xf32, #tpu.memory_space<vmem>>) dst(%dma_wait3A_261 : memref<10240xf32, #tpu.memory_space<vmem_shared>>)
    %dma_wait3A_262 = arith.constant 0 : i32
    %dma_wait3A_263 = arith.constant 0 : i32
    %dma_wait3A_264 = tpu.memref_slice %arg2[%dma_wait3A_262, %dma_wait3A_263] : memref<320000x128xf32, #tpu.memory_space<hbm>> -> memref<80x128xf32, #tpu.memory_space<hbm>>
    %dma_wait3A_265 = arith.constant 0 : i32
    %dma_wait3A_266 = arith.constant 0 : i32
    %dma_wait3A_267 = tpu.memref_slice %arg2[%dma_wait3A_265, %dma_wait3A_266] : memref<320000x128xf32, #tpu.memory_space<hbm>> -> memref<80x128xf32, #tpu.memory_space<hbm>>
    tpu.wait_dma2 semaphore(%arg18 : memref<!tpu.dma_semaphore, #tpu.memory_space<semaphore_mem>>) src(%dma_wait3A_267 : memref<80x128xf32, #tpu.memory_space<hbm>>) dst(%arg11 : memref<80x128xf32, #tpu.memory_space<vmem>>)
    %dma_start3A_268 = arith.constant 124 : i32
    %dma_start3A_269 = arith.constant 0 : i32
    %dma_start3A_270 = tpu.memref_slice %arg9[%dma_start3A_268, %dma_start3A_269] : memref<125x80xi32, #tpu.memory_space<vmem>> -> memref<1x80xi32, #tpu.memory_space<vmem>>
    %dma_start3A_271 = tpu.memref_squeeze %dma_start3A_270 : memref<1x80xi32, #tpu.memory_space<vmem>> -> memref<80xi32, #tpu.memory_space<vmem>>
    %dma_start3A_272 = arith.constant 0 : i32
    %dma_start3A_273 = arith.constant 0 : i32
    %dma_start3A_274 = tpu.memref_slice %arg15[%dma_start3A_272, %dma_start3A_273] : memref<10240x128xf32, #tpu.memory_space<vmem_shared>> -> memref<10240x128xf32, #tpu.memory_space<vmem_shared>>
    tpu.enqueue_indirect_dma source(%arg11 : memref<80x128xf32, #tpu.memory_space<vmem>>) target(%dma_start3A_274 : memref<10240x128xf32, #tpu.memory_space<vmem_shared>>) offsets(%dma_start3A_271 : memref<80xi32, #tpu.memory_space<vmem>>) semaphore(%arg20 : memref<!tpu.dma_semaphore, #tpu.memory_space<semaphore_mem>>) {add = true}
    %dma_start3A_275 = arith.constant 124 : i32
    %dma_start3A_276 = arith.constant 0 : i32
    %dma_start3A_277 = tpu.memref_slice %arg9[%dma_start3A_275, %dma_start3A_276] : memref<125x80xi32, #tpu.memory_space<vmem>> -> memref<1x80xi32, #tpu.memory_space<vmem>>
    %dma_start3A_278 = tpu.memref_squeeze %dma_start3A_277 : memref<1x80xi32, #tpu.memory_space<vmem>> -> memref<80xi32, #tpu.memory_space<vmem>>
    %dma_start3A_279 = arith.constant 0 : i32
    %dma_start3A_280 = tpu.memref_slice %arg16[%dma_start3A_279] : memref<10240xf32, #tpu.memory_space<vmem_shared>> -> memref<10240xf32, #tpu.memory_space<vmem_shared>>
    tpu.enqueue_indirect_dma source(%arg13 : memref<80xf32, #tpu.memory_space<vmem>>) target(%dma_start3A_280 : memref<10240xf32, #tpu.memory_space<vmem_shared>>) offsets(%dma_start3A_278 : memref<80xi32, #tpu.memory_space<vmem>>) semaphore(%arg21 : memref<!tpu.dma_semaphore, #tpu.memory_space<semaphore_mem>>) {add = true}
    %dma_wait3A_281 = arith.constant 0 : i32
    %dma_wait3A_282 = arith.constant 0 : i32
    %dma_wait3A_283 = tpu.memref_slice %arg9[%dma_wait3A_281, %dma_wait3A_282] : memref<125x80xi32, #tpu.memory_space<vmem>> -> memref<1x80xi32, #tpu.memory_space<vmem>>
    %dma_wait3A_284 = tpu.memref_squeeze %dma_wait3A_283 : memref<1x80xi32, #tpu.memory_space<vmem>> -> memref<80xi32, #tpu.memory_space<vmem>>
    %dma_wait3A_285 = arith.constant 0 : i32
    %dma_wait3A_286 = arith.constant 0 : i32
    %dma_wait3A_287 = tpu.memref_slice %arg15[%dma_wait3A_285, %dma_wait3A_286] : memref<10240x128xf32, #tpu.memory_space<vmem_shared>> -> memref<10240x128xf32, #tpu.memory_space<vmem_shared>>
    tpu.wait_indirect_dma semaphore(%arg20 : memref<!tpu.dma_semaphore, #tpu.memory_space<semaphore_mem>>) src(%arg10 : memref<80x128xf32, #tpu.memory_space<vmem>>) dst(%dma_wait3A_287 : memref<10240x128xf32, #tpu.memory_space<vmem_shared>>)
    %dma_wait3A_288 = arith.constant 0 : i32
    %dma_wait3A_289 = arith.constant 0 : i32
    %dma_wait3A_290 = tpu.memref_slice %arg9[%dma_wait3A_288, %dma_wait3A_289] : memref<125x80xi32, #tpu.memory_space<vmem>> -> memref<1x80xi32, #tpu.memory_space<vmem>>
    %dma_wait3A_291 = tpu.memref_squeeze %dma_wait3A_290 : memref<1x80xi32, #tpu.memory_space<vmem>> -> memref<80xi32, #tpu.memory_space<vmem>>
    %dma_wait3A_292 = arith.constant 0 : i32
    %dma_wait3A_293 = tpu.memref_slice %arg16[%dma_wait3A_292] : memref<10240xf32, #tpu.memory_space<vmem_shared>> -> memref<10240xf32, #tpu.memory_space<vmem_shared>>
    tpu.wait_indirect_dma semaphore(%arg21 : memref<!tpu.dma_semaphore, #tpu.memory_space<semaphore_mem>>) src(%arg13 : memref<80xf32, #tpu.memory_space<vmem>>) dst(%dma_wait3A_293 : memref<10240xf32, #tpu.memory_space<vmem_shared>>)
    %dma_wait3A_294 = arith.constant 0 : i32
    %dma_wait3A_295 = arith.constant 0 : i32
    %dma_wait3A_296 = tpu.memref_slice %arg9[%dma_wait3A_294, %dma_wait3A_295] : memref<125x80xi32, #tpu.memory_space<vmem>> -> memref<1x80xi32, #tpu.memory_space<vmem>>
    %dma_wait3A_297 = tpu.memref_squeeze %dma_wait3A_296 : memref<1x80xi32, #tpu.memory_space<vmem>> -> memref<80xi32, #tpu.memory_space<vmem>>
    %dma_wait3A_298 = arith.constant 0 : i32
    %dma_wait3A_299 = arith.constant 0 : i32
    %dma_wait3A_300 = tpu.memref_slice %arg15[%dma_wait3A_298, %dma_wait3A_299] : memref<10240x128xf32, #tpu.memory_space<vmem_shared>> -> memref<10240x128xf32, #tpu.memory_space<vmem_shared>>
    tpu.wait_indirect_dma semaphore(%arg20 : memref<!tpu.dma_semaphore, #tpu.memory_space<semaphore_mem>>) src(%arg10 : memref<80x128xf32, #tpu.memory_space<vmem>>) dst(%dma_wait3A_300 : memref<10240x128xf32, #tpu.memory_space<vmem_shared>>)
    %dma_wait3A_301 = arith.constant 0 : i32
    %dma_wait3A_302 = arith.constant 0 : i32
    %dma_wait3A_303 = tpu.memref_slice %arg9[%dma_wait3A_301, %dma_wait3A_302] : memref<125x80xi32, #tpu.memory_space<vmem>> -> memref<1x80xi32, #tpu.memory_space<vmem>>
    %dma_wait3A_304 = tpu.memref_squeeze %dma_wait3A_303 : memref<1x80xi32, #tpu.memory_space<vmem>> -> memref<80xi32, #tpu.memory_space<vmem>>
    %dma_wait3A_305 = arith.constant 0 : i32
    %dma_wait3A_306 = tpu.memref_slice %arg16[%dma_wait3A_305] : memref<10240xf32, #tpu.memory_space<vmem_shared>> -> memref<10240xf32, #tpu.memory_space<vmem_shared>>
    tpu.wait_indirect_dma semaphore(%arg21 : memref<!tpu.dma_semaphore, #tpu.memory_space<semaphore_mem>>) src(%arg13 : memref<80xf32, #tpu.memory_space<vmem>>) dst(%dma_wait3A_306 : memref<10240xf32, #tpu.memory_space<vmem_shared>>)
    %barrier3A_307 = arith.constant 0 : index
    tpu.barrier barrier_id(%barrier3A_307)
    %mul3A_308 = arith.constant 640 : i32
    %mul3A_309 = arith.muli %arg1, %mul3A_308 : i32
    %add3A_310 = arith.constant 0 : i32
    %add3A_311 = arith.addi %mul3A_309, %add3A_310 : i32
    "tpu.region"() ({
      %run_scoped3A = tpu.sem_alloc : memref<!tpu.dma_semaphore, #tpu.memory_space<semaphore_mem>>
      %dma_start3A_534 = arith.constant 0 : i32
      %dma_start3A_535 = arith.constant 0 : i32
      %dma_start3A_536 = tpu.memref_slice %arg10[%dma_start3A_534, %dma_start3A_535] : memref<80x128xf32, #tpu.memory_space<vmem>> -> memref<80x128xf32, #tpu.memory_space<vmem>>
      %dma_start3A_537 = arith.constant 0 : i32
      %dma_start3A_538 = tpu.memref_slice %arg15[%add3A_311, %dma_start3A_537] : memref<10240x128xf32, #tpu.memory_space<vmem_shared>> -> memref<80x128xf32, #tpu.memory_space<vmem_shared>>
      %dma_start3A_539 = arith.constant 0 : i32
      %dma_start3A_540 = arith.constant 0 : i32
      %dma_start3A_541 = tpu.memref_slice %arg10[%dma_start3A_539, %dma_start3A_540] : memref<80x128xf32, #tpu.memory_space<vmem>> -> memref<80x128xf32, #tpu.memory_space<vmem>>
      %dma_start3A_542 = arith.constant 0 : i32
      %dma_start3A_543 = tpu.memref_slice %arg15[%add3A_311, %dma_start3A_542] : memref<10240x128xf32, #tpu.memory_space<vmem_shared>> -> memref<80x128xf32, #tpu.memory_space<vmem_shared>>
      tpu.enqueue_dma source(%dma_start3A_543 : memref<80x128xf32, #tpu.memory_space<vmem_shared>>) target(%dma_start3A_541 : memref<80x128xf32, #tpu.memory_space<vmem>>) target_semaphore(%run_scoped3A : memref<!tpu.dma_semaphore, #tpu.memory_space<semaphore_mem>>)
      %dma_wait3A_544 = arith.constant 0 : i32
      %dma_wait3A_545 = arith.constant 0 : i32
      %dma_wait3A_546 = tpu.memref_slice %arg10[%dma_wait3A_544, %dma_wait3A_545] : memref<80x128xf32, #tpu.memory_space<vmem>> -> memref<80x128xf32, #tpu.memory_space<vmem>>
      %dma_wait3A_547 = arith.constant 0 : i32
      %dma_wait3A_548 = tpu.memref_slice %arg15[%add3A_311, %dma_wait3A_547] : memref<10240x128xf32, #tpu.memory_space<vmem_shared>> -> memref<80x128xf32, #tpu.memory_space<vmem_shared>>
      %dma_wait3A_549 = arith.constant 0 : i32
      %dma_wait3A_550 = arith.constant 0 : i32
      %dma_wait3A_551 = tpu.memref_slice %arg10[%dma_wait3A_549, %dma_wait3A_550] : memref<80x128xf32, #tpu.memory_space<vmem>> -> memref<80x128xf32, #tpu.memory_space<vmem>>
      %dma_wait3A_552 = arith.constant 0 : i32
      %dma_wait3A_553 = tpu.memref_slice %arg15[%add3A_311, %dma_wait3A_552] : memref<10240x128xf32, #tpu.memory_space<vmem_shared>> -> memref<80x128xf32, #tpu.memory_space<vmem_shared>>
      tpu.wait_dma2 semaphore(%run_scoped3A : memref<!tpu.dma_semaphore, #tpu.memory_space<semaphore_mem>>) src(%dma_wait3A_553 : memref<80x128xf32, #tpu.memory_space<vmem_shared>>) dst(%dma_wait3A_551 : memref<80x128xf32, #tpu.memory_space<vmem>>)
      tpu.yield
    }) : () -> ()
    %dma_start3A_312 = arith.constant 0 : i32
    %dma_start3A_313 = arith.constant 0 : i32
    %dma_start3A_314 = tpu.memref_slice %arg10[%dma_start3A_312, %dma_start3A_313] : memref<80x128xf32, #tpu.memory_space<vmem>> -> memref<80x128xf32, #tpu.memory_space<vmem>>
    %dma_start3A_315 = arith.constant 0 : i32
    %dma_start3A_316 = tpu.memref_slice %arg7[%arg0, %add3A_311, %dma_start3A_315] : memref<2x10240x128xf32, #tpu.memory_space<hbm>> -> memref<1x80x128xf32, #tpu.memory_space<hbm>>
    %dma_start3A_317 = tpu.memref_squeeze %dma_start3A_316 : memref<1x80x128xf32, #tpu.memory_space<hbm>> -> memref<80x128xf32, #tpu.memory_space<hbm>>
    %dma_start3A_318 = arith.constant 0 : i32
    %dma_start3A_319 = tpu.memref_slice %arg7[%arg0, %add3A_311, %dma_start3A_318] : memref<2x10240x128xf32, #tpu.memory_space<hbm>> -> memref<1x80x128xf32, #tpu.memory_space<hbm>>
    %dma_start3A_320 = tpu.memref_squeeze %dma_start3A_319 : memref<1x80x128xf32, #tpu.memory_space<hbm>> -> memref<80x128xf32, #tpu.memory_space<hbm>>
    %dma_start3A_321 = arith.constant 0 : i32
    %dma_start3A_322 = arith.constant 0 : i32
    %dma_start3A_323 = tpu.memref_slice %arg10[%dma_start3A_321, %dma_start3A_322] : memref<80x128xf32, #tpu.memory_space<vmem>> -> memref<80x128xf32, #tpu.memory_space<vmem>>
    tpu.enqueue_dma source(%dma_start3A_323 : memref<80x128xf32, #tpu.memory_space<vmem>>) target(%dma_start3A_320 : memref<80x128xf32, #tpu.memory_space<hbm>>) target_semaphore(%arg22 : memref<!tpu.dma_semaphore, #tpu.memory_space<semaphore_mem>>)
    %mul3A_324 = arith.constant 640 : i32
    %mul3A_325 = arith.muli %arg1, %mul3A_324 : i32
    %add3A_326 = arith.constant 80 : i32
    %add3A_327 = arith.addi %mul3A_325, %add3A_326 : i32
    "tpu.region"() ({
      %run_scoped3A = tpu.sem_alloc : memref<!tpu.dma_semaphore, #tpu.memory_space<semaphore_mem>>
      %dma_start3A_534 = arith.constant 0 : i32
      %dma_start3A_535 = arith.constant 0 : i32
      %dma_start3A_536 = tpu.memref_slice %arg11[%dma_start3A_534, %dma_start3A_535] : memref<80x128xf32, #tpu.memory_space<vmem>> -> memref<80x128xf32, #tpu.memory_space<vmem>>
      %dma_start3A_537 = arith.constant 0 : i32
      %dma_start3A_538 = tpu.memref_slice %arg15[%add3A_327, %dma_start3A_537] : memref<10240x128xf32, #tpu.memory_space<vmem_shared>> -> memref<80x128xf32, #tpu.memory_space<vmem_shared>>
      %dma_start3A_539 = arith.constant 0 : i32
      %dma_start3A_540 = arith.constant 0 : i32
      %dma_start3A_541 = tpu.memref_slice %arg11[%dma_start3A_539, %dma_start3A_540] : memref<80x128xf32, #tpu.memory_space<vmem>> -> memref<80x128xf32, #tpu.memory_space<vmem>>
      %dma_start3A_542 = arith.constant 0 : i32
      %dma_start3A_543 = tpu.memref_slice %arg15[%add3A_327, %dma_start3A_542] : memref<10240x128xf32, #tpu.memory_space<vmem_shared>> -> memref<80x128xf32, #tpu.memory_space<vmem_shared>>
      tpu.enqueue_dma source(%dma_start3A_543 : memref<80x128xf32, #tpu.memory_space<vmem_shared>>) target(%dma_start3A_541 : memref<80x128xf32, #tpu.memory_space<vmem>>) target_semaphore(%run_scoped3A : memref<!tpu.dma_semaphore, #tpu.memory_space<semaphore_mem>>)
      %dma_wait3A_544 = arith.constant 0 : i32
      %dma_wait3A_545 = arith.constant 0 : i32
      %dma_wait3A_546 = tpu.memref_slice %arg11[%dma_wait3A_544, %dma_wait3A_545] : memref<80x128xf32, #tpu.memory_space<vmem>> -> memref<80x128xf32, #tpu.memory_space<vmem>>
      %dma_wait3A_547 = arith.constant 0 : i32
      %dma_wait3A_548 = tpu.memref_slice %arg15[%add3A_327, %dma_wait3A_547] : memref<10240x128xf32, #tpu.memory_space<vmem_shared>> -> memref<80x128xf32, #tpu.memory_space<vmem_shared>>
      %dma_wait3A_549 = arith.constant 0 : i32
      %dma_wait3A_550 = arith.constant 0 : i32
      %dma_wait3A_551 = tpu.memref_slice %arg11[%dma_wait3A_549, %dma_wait3A_550] : memref<80x128xf32, #tpu.memory_space<vmem>> -> memref<80x128xf32, #tpu.memory_space<vmem>>
      %dma_wait3A_552 = arith.constant 0 : i32
      %dma_wait3A_553 = tpu.memref_slice %arg15[%add3A_327, %dma_wait3A_552] : memref<10240x128xf32, #tpu.memory_space<vmem_shared>> -> memref<80x128xf32, #tpu.memory_space<vmem_shared>>
      tpu.wait_dma2 semaphore(%run_scoped3A : memref<!tpu.dma_semaphore, #tpu.memory_space<semaphore_mem>>) src(%dma_wait3A_553 : memref<80x128xf32, #tpu.memory_space<vmem_shared>>) dst(%dma_wait3A_551 : memref<80x128xf32, #tpu.memory_space<vmem>>)
      tpu.yield
    }) : () -> ()
    %dma_start3A_328 = arith.constant 0 : i32
    %dma_start3A_329 = arith.constant 0 : i32
    %dma_start3A_330 = tpu.memref_slice %arg11[%dma_start3A_328, %dma_start3A_329] : memref<80x128xf32, #tpu.memory_space<vmem>> -> memref<80x128xf32, #tpu.memory_space<vmem>>
    %dma_start3A_331 = arith.constant 0 : i32
    %dma_start3A_332 = tpu.memref_slice %arg7[%arg0, %add3A_327, %dma_start3A_331] : memref<2x10240x128xf32, #tpu.memory_space<hbm>> -> memref<1x80x128xf32, #tpu.memory_space<hbm>>
    %dma_start3A_333 = tpu.memref_squeeze %dma_start3A_332 : memref<1x80x128xf32, #tpu.memory_space<hbm>> -> memref<80x128xf32, #tpu.memory_space<hbm>>
    %dma_start3A_334 = arith.constant 0 : i32
    %dma_start3A_335 = tpu.memref_slice %arg7[%arg0, %add3A_327, %dma_start3A_334] : memref<2x10240x128xf32, #tpu.memory_space<hbm>> -> memref<1x80x128xf32, #tpu.memory_space<hbm>>
    %dma_start3A_336 = tpu.memref_squeeze %dma_start3A_335 : memref<1x80x128xf32, #tpu.memory_space<hbm>> -> memref<80x128xf32, #tpu.memory_space<hbm>>
    %dma_start3A_337 = arith.constant 0 : i32
    %dma_start3A_338 = arith.constant 0 : i32
    %dma_start3A_339 = tpu.memref_slice %arg11[%dma_start3A_337, %dma_start3A_338] : memref<80x128xf32, #tpu.memory_space<vmem>> -> memref<80x128xf32, #tpu.memory_space<vmem>>
    tpu.enqueue_dma source(%dma_start3A_339 : memref<80x128xf32, #tpu.memory_space<vmem>>) target(%dma_start3A_336 : memref<80x128xf32, #tpu.memory_space<hbm>>) target_semaphore(%arg22 : memref<!tpu.dma_semaphore, #tpu.memory_space<semaphore_mem>>)
    %mul3A_340 = arith.constant 640 : i32
    %mul3A_341 = arith.muli %arg1, %mul3A_340 : i32
    %add3A_342 = arith.constant 160 : i32
    %add3A_343 = arith.addi %mul3A_341, %add3A_342 : i32
    %dma_wait3A_344 = arith.constant 0 : i32
    %dma_wait3A_345 = arith.constant 0 : i32
    %dma_wait3A_346 = tpu.memref_slice %arg10[%dma_wait3A_344, %dma_wait3A_345] : memref<80x128xf32, #tpu.memory_space<vmem>> -> memref<80x128xf32, #tpu.memory_space<vmem>>
    %dma_wait3A_347 = arith.constant 0 : i32
    %dma_wait3A_348 = tpu.memref_slice %arg7[%arg0, %add3A_311, %dma_wait3A_347] : memref<2x10240x128xf32, #tpu.memory_space<hbm>> -> memref<1x80x128xf32, #tpu.memory_space<hbm>>
    %dma_wait3A_349 = tpu.memref_squeeze %dma_wait3A_348 : memref<1x80x128xf32, #tpu.memory_space<hbm>> -> memref<80x128xf32, #tpu.memory_space<hbm>>
    %dma_wait3A_350 = arith.constant 0 : i32
    %dma_wait3A_351 = tpu.memref_slice %arg7[%arg0, %add3A_311, %dma_wait3A_350] : memref<2x10240x128xf32, #tpu.memory_space<hbm>> -> memref<1x80x128xf32, #tpu.memory_space<hbm>>
    %dma_wait3A_352 = tpu.memref_squeeze %dma_wait3A_351 : memref<1x80x128xf32, #tpu.memory_space<hbm>> -> memref<80x128xf32, #tpu.memory_space<hbm>>
    %dma_wait3A_353 = arith.constant 0 : i32
    %dma_wait3A_354 = arith.constant 0 : i32
    %dma_wait3A_355 = tpu.memref_slice %arg10[%dma_wait3A_353, %dma_wait3A_354] : memref<80x128xf32, #tpu.memory_space<vmem>> -> memref<80x128xf32, #tpu.memory_space<vmem>>
    tpu.wait_dma2 semaphore(%arg22 : memref<!tpu.dma_semaphore, #tpu.memory_space<semaphore_mem>>) src(%dma_wait3A_355 : memref<80x128xf32, #tpu.memory_space<vmem>>) dst(%dma_wait3A_352 : memref<80x128xf32, #tpu.memory_space<hbm>>)
    "tpu.region"() ({
      %run_scoped3A = tpu.sem_alloc : memref<!tpu.dma_semaphore, #tpu.memory_space<semaphore_mem>>
      %dma_start3A_534 = arith.constant 0 : i32
      %dma_start3A_535 = arith.constant 0 : i32
      %dma_start3A_536 = tpu.memref_slice %arg10[%dma_start3A_534, %dma_start3A_535] : memref<80x128xf32, #tpu.memory_space<vmem>> -> memref<80x128xf32, #tpu.memory_space<vmem>>
      %dma_start3A_537 = arith.constant 0 : i32
      %dma_start3A_538 = tpu.memref_slice %arg15[%add3A_343, %dma_start3A_537] : memref<10240x128xf32, #tpu.memory_space<vmem_shared>> -> memref<80x128xf32, #tpu.memory_space<vmem_shared>>
      %dma_start3A_539 = arith.constant 0 : i32
      %dma_start3A_540 = arith.constant 0 : i32
      %dma_start3A_541 = tpu.memref_slice %arg10[%dma_start3A_539, %dma_start3A_540] : memref<80x128xf32, #tpu.memory_space<vmem>> -> memref<80x128xf32, #tpu.memory_space<vmem>>
      %dma_start3A_542 = arith.constant 0 : i32
      %dma_start3A_543 = tpu.memref_slice %arg15[%add3A_343, %dma_start3A_542] : memref<10240x128xf32, #tpu.memory_space<vmem_shared>> -> memref<80x128xf32, #tpu.memory_space<vmem_shared>>
      tpu.enqueue_dma source(%dma_start3A_543 : memref<80x128xf32, #tpu.memory_space<vmem_shared>>) target(%dma_start3A_541 : memref<80x128xf32, #tpu.memory_space<vmem>>) target_semaphore(%run_scoped3A : memref<!tpu.dma_semaphore, #tpu.memory_space<semaphore_mem>>)
      %dma_wait3A_544 = arith.constant 0 : i32
      %dma_wait3A_545 = arith.constant 0 : i32
      %dma_wait3A_546 = tpu.memref_slice %arg10[%dma_wait3A_544, %dma_wait3A_545] : memref<80x128xf32, #tpu.memory_space<vmem>> -> memref<80x128xf32, #tpu.memory_space<vmem>>
      %dma_wait3A_547 = arith.constant 0 : i32
      %dma_wait3A_548 = tpu.memref_slice %arg15[%add3A_343, %dma_wait3A_547] : memref<10240x128xf32, #tpu.memory_space<vmem_shared>> -> memref<80x128xf32, #tpu.memory_space<vmem_shared>>
      %dma_wait3A_549 = arith.constant 0 : i32
      %dma_wait3A_550 = arith.constant 0 : i32
      %dma_wait3A_551 = tpu.memref_slice %arg10[%dma_wait3A_549, %dma_wait3A_550] : memref<80x128xf32, #tpu.memory_space<vmem>> -> memref<80x128xf32, #tpu.memory_space<vmem>>
      %dma_wait3A_552 = arith.constant 0 : i32
      %dma_wait3A_553 = tpu.memref_slice %arg15[%add3A_343, %dma_wait3A_552] : memref<10240x128xf32, #tpu.memory_space<vmem_shared>> -> memref<80x128xf32, #tpu.memory_space<vmem_shared>>
      tpu.wait_dma2 semaphore(%run_scoped3A : memref<!tpu.dma_semaphore, #tpu.memory_space<semaphore_mem>>) src(%dma_wait3A_553 : memref<80x128xf32, #tpu.memory_space<vmem_shared>>) dst(%dma_wait3A_551 : memref<80x128xf32, #tpu.memory_space<vmem>>)
      tpu.yield
    }) : () -> ()
    %dma_start3A_356 = arith.constant 0 : i32
    %dma_start3A_357 = arith.constant 0 : i32
    %dma_start3A_358 = tpu.memref_slice %arg10[%dma_start3A_356, %dma_start3A_357] : memref<80x128xf32, #tpu.memory_space<vmem>> -> memref<80x128xf32, #tpu.memory_space<vmem>>
    %dma_start3A_359 = arith.constant 0 : i32
    %dma_start3A_360 = tpu.memref_slice %arg7[%arg0, %add3A_343, %dma_start3A_359] : memref<2x10240x128xf32, #tpu.memory_space<hbm>> -> memref<1x80x128xf32, #tpu.memory_space<hbm>>
    %dma_start3A_361 = tpu.memref_squeeze %dma_start3A_360 : memref<1x80x128xf32, #tpu.memory_space<hbm>> -> memref<80x128xf32, #tpu.memory_space<hbm>>
    %dma_start3A_362 = arith.constant 0 : i32
    %dma_start3A_363 = tpu.memref_slice %arg7[%arg0, %add3A_343, %dma_start3A_362] : memref<2x10240x128xf32, #tpu.memory_space<hbm>> -> memref<1x80x128xf32, #tpu.memory_space<hbm>>
    %dma_start3A_364 = tpu.memref_squeeze %dma_start3A_363 : memref<1x80x128xf32, #tpu.memory_space<hbm>> -> memref<80x128xf32, #tpu.memory_space<hbm>>
    %dma_start3A_365 = arith.constant 0 : i32
    %dma_start3A_366 = arith.constant 0 : i32
    %dma_start3A_367 = tpu.memref_slice %arg10[%dma_start3A_365, %dma_start3A_366] : memref<80x128xf32, #tpu.memory_space<vmem>> -> memref<80x128xf32, #tpu.memory_space<vmem>>
    tpu.enqueue_dma source(%dma_start3A_367 : memref<80x128xf32, #tpu.memory_space<vmem>>) target(%dma_start3A_364 : memref<80x128xf32, #tpu.memory_space<hbm>>) target_semaphore(%arg22 : memref<!tpu.dma_semaphore, #tpu.memory_space<semaphore_mem>>)
    %mul3A_368 = arith.constant 640 : i32
    %mul3A_369 = arith.muli %arg1, %mul3A_368 : i32
    %add3A_370 = arith.constant 240 : i32
    %add3A_371 = arith.addi %mul3A_369, %add3A_370 : i32
    %dma_wait3A_372 = arith.constant 0 : i32
    %dma_wait3A_373 = arith.constant 0 : i32
    %dma_wait3A_374 = tpu.memref_slice %arg11[%dma_wait3A_372, %dma_wait3A_373] : memref<80x128xf32, #tpu.memory_space<vmem>> -> memref<80x128xf32, #tpu.memory_space<vmem>>
    %dma_wait3A_375 = arith.constant 0 : i32
    %dma_wait3A_376 = tpu.memref_slice %arg7[%arg0, %add3A_327, %dma_wait3A_375] : memref<2x10240x128xf32, #tpu.memory_space<hbm>> -> memref<1x80x128xf32, #tpu.memory_space<hbm>>
    %dma_wait3A_377 = tpu.memref_squeeze %dma_wait3A_376 : memref<1x80x128xf32, #tpu.memory_space<hbm>> -> memref<80x128xf32, #tpu.memory_space<hbm>>
    %dma_wait3A_378 = arith.constant 0 : i32
    %dma_wait3A_379 = tpu.memref_slice %arg7[%arg0, %add3A_327, %dma_wait3A_378] : memref<2x10240x128xf32, #tpu.memory_space<hbm>> -> memref<1x80x128xf32, #tpu.memory_space<hbm>>
    %dma_wait3A_380 = tpu.memref_squeeze %dma_wait3A_379 : memref<1x80x128xf32, #tpu.memory_space<hbm>> -> memref<80x128xf32, #tpu.memory_space<hbm>>
    %dma_wait3A_381 = arith.constant 0 : i32
    %dma_wait3A_382 = arith.constant 0 : i32
    %dma_wait3A_383 = tpu.memref_slice %arg11[%dma_wait3A_381, %dma_wait3A_382] : memref<80x128xf32, #tpu.memory_space<vmem>> -> memref<80x128xf32, #tpu.memory_space<vmem>>
    tpu.wait_dma2 semaphore(%arg22 : memref<!tpu.dma_semaphore, #tpu.memory_space<semaphore_mem>>) src(%dma_wait3A_383 : memref<80x128xf32, #tpu.memory_space<vmem>>) dst(%dma_wait3A_380 : memref<80x128xf32, #tpu.memory_space<hbm>>)
    "tpu.region"() ({
      %run_scoped3A = tpu.sem_alloc : memref<!tpu.dma_semaphore, #tpu.memory_space<semaphore_mem>>
      %dma_start3A_534 = arith.constant 0 : i32
      %dma_start3A_535 = arith.constant 0 : i32
      %dma_start3A_536 = tpu.memref_slice %arg11[%dma_start3A_534, %dma_start3A_535] : memref<80x128xf32, #tpu.memory_space<vmem>> -> memref<80x128xf32, #tpu.memory_space<vmem>>
      %dma_start3A_537 = arith.constant 0 : i32
      %dma_start3A_538 = tpu.memref_slice %arg15[%add3A_371, %dma_start3A_537] : memref<10240x128xf32, #tpu.memory_space<vmem_shared>> -> memref<80x128xf32, #tpu.memory_space<vmem_shared>>
      %dma_start3A_539 = arith.constant 0 : i32
      %dma_start3A_540 = arith.constant 0 : i32
      %dma_start3A_541 = tpu.memref_slice %arg11[%dma_start3A_539, %dma_start3A_540] : memref<80x128xf32, #tpu.memory_space<vmem>> -> memref<80x128xf32, #tpu.memory_space<vmem>>
      %dma_start3A_542 = arith.constant 0 : i32
      %dma_start3A_543 = tpu.memref_slice %arg15[%add3A_371, %dma_start3A_542] : memref<10240x128xf32, #tpu.memory_space<vmem_shared>> -> memref<80x128xf32, #tpu.memory_space<vmem_shared>>
      tpu.enqueue_dma source(%dma_start3A_543 : memref<80x128xf32, #tpu.memory_space<vmem_shared>>) target(%dma_start3A_541 : memref<80x128xf32, #tpu.memory_space<vmem>>) target_semaphore(%run_scoped3A : memref<!tpu.dma_semaphore, #tpu.memory_space<semaphore_mem>>)
      %dma_wait3A_544 = arith.constant 0 : i32
      %dma_wait3A_545 = arith.constant 0 : i32
      %dma_wait3A_546 = tpu.memref_slice %arg11[%dma_wait3A_544, %dma_wait3A_545] : memref<80x128xf32, #tpu.memory_space<vmem>> -> memref<80x128xf32, #tpu.memory_space<vmem>>
      %dma_wait3A_547 = arith.constant 0 : i32
      %dma_wait3A_548 = tpu.memref_slice %arg15[%add3A_371, %dma_wait3A_547] : memref<10240x128xf32, #tpu.memory_space<vmem_shared>> -> memref<80x128xf32, #tpu.memory_space<vmem_shared>>
      %dma_wait3A_549 = arith.constant 0 : i32
      %dma_wait3A_550 = arith.constant 0 : i32
      %dma_wait3A_551 = tpu.memref_slice %arg11[%dma_wait3A_549, %dma_wait3A_550] : memref<80x128xf32, #tpu.memory_space<vmem>> -> memref<80x128xf32, #tpu.memory_space<vmem>>
      %dma_wait3A_552 = arith.constant 0 : i32
      %dma_wait3A_553 = tpu.memref_slice %arg15[%add3A_371, %dma_wait3A_552] : memref<10240x128xf32, #tpu.memory_space<vmem_shared>> -> memref<80x128xf32, #tpu.memory_space<vmem_shared>>
      tpu.wait_dma2 semaphore(%run_scoped3A : memref<!tpu.dma_semaphore, #tpu.memory_space<semaphore_mem>>) src(%dma_wait3A_553 : memref<80x128xf32, #tpu.memory_space<vmem_shared>>) dst(%dma_wait3A_551 : memref<80x128xf32, #tpu.memory_space<vmem>>)
      tpu.yield
    }) : () -> ()
    %dma_start3A_384 = arith.constant 0 : i32
    %dma_start3A_385 = arith.constant 0 : i32
    %dma_start3A_386 = tpu.memref_slice %arg11[%dma_start3A_384, %dma_start3A_385] : memref<80x128xf32, #tpu.memory_space<vmem>> -> memref<80x128xf32, #tpu.memory_space<vmem>>
    %dma_start3A_387 = arith.constant 0 : i32
    %dma_start3A_388 = tpu.memref_slice %arg7[%arg0, %add3A_371, %dma_start3A_387] : memref<2x10240x128xf32, #tpu.memory_space<hbm>> -> memref<1x80x128xf32, #tpu.memory_space<hbm>>
    %dma_start3A_389 = tpu.memref_squeeze %dma_start3A_388 : memref<1x80x128xf32, #tpu.memory_space<hbm>> -> memref<80x128xf32, #tpu.memory_space<hbm>>
    %dma_start3A_390 = arith.constant 0 : i32
    %dma_start3A_391 = tpu.memref_slice %arg7[%arg0, %add3A_371, %dma_start3A_390] : memref<2x10240x128xf32, #tpu.memory_space<hbm>> -> memref<1x80x128xf32, #tpu.memory_space<hbm>>
    %dma_start3A_392 = tpu.memref_squeeze %dma_start3A_391 : memref<1x80x128xf32, #tpu.memory_space<hbm>> -> memref<80x128xf32, #tpu.memory_space<hbm>>
    %dma_start3A_393 = arith.constant 0 : i32
    %dma_start3A_394 = arith.constant 0 : i32
    %dma_start3A_395 = tpu.memref_slice %arg11[%dma_start3A_393, %dma_start3A_394] : memref<80x128xf32, #tpu.memory_space<vmem>> -> memref<80x128xf32, #tpu.memory_space<vmem>>
    tpu.enqueue_dma source(%dma_start3A_395 : memref<80x128xf32, #tpu.memory_space<vmem>>) target(%dma_start3A_392 : memref<80x128xf32, #tpu.memory_space<hbm>>) target_semaphore(%arg22 : memref<!tpu.dma_semaphore, #tpu.memory_space<semaphore_mem>>)
    %mul3A_396 = arith.constant 640 : i32
    %mul3A_397 = arith.muli %arg1, %mul3A_396 : i32
    %add3A_398 = arith.constant 320 : i32
    %add3A_399 = arith.addi %mul3A_397, %add3A_398 : i32
    %dma_wait3A_400 = arith.constant 0 : i32
    %dma_wait3A_401 = arith.constant 0 : i32
    %dma_wait3A_402 = tpu.memref_slice %arg10[%dma_wait3A_400, %dma_wait3A_401] : memref<80x128xf32, #tpu.memory_space<vmem>> -> memref<80x128xf32, #tpu.memory_space<vmem>>
    %dma_wait3A_403 = arith.constant 0 : i32
    %dma_wait3A_404 = tpu.memref_slice %arg7[%arg0, %add3A_343, %dma_wait3A_403] : memref<2x10240x128xf32, #tpu.memory_space<hbm>> -> memref<1x80x128xf32, #tpu.memory_space<hbm>>
    %dma_wait3A_405 = tpu.memref_squeeze %dma_wait3A_404 : memref<1x80x128xf32, #tpu.memory_space<hbm>> -> memref<80x128xf32, #tpu.memory_space<hbm>>
    %dma_wait3A_406 = arith.constant 0 : i32
    %dma_wait3A_407 = tpu.memref_slice %arg7[%arg0, %add3A_343, %dma_wait3A_406] : memref<2x10240x128xf32, #tpu.memory_space<hbm>> -> memref<1x80x128xf32, #tpu.memory_space<hbm>>
    %dma_wait3A_408 = tpu.memref_squeeze %dma_wait3A_407 : memref<1x80x128xf32, #tpu.memory_space<hbm>> -> memref<80x128xf32, #tpu.memory_space<hbm>>
    %dma_wait3A_409 = arith.constant 0 : i32
    %dma_wait3A_410 = arith.constant 0 : i32
    %dma_wait3A_411 = tpu.memref_slice %arg10[%dma_wait3A_409, %dma_wait3A_410] : memref<80x128xf32, #tpu.memory_space<vmem>> -> memref<80x128xf32, #tpu.memory_space<vmem>>
    tpu.wait_dma2 semaphore(%arg22 : memref<!tpu.dma_semaphore, #tpu.memory_space<semaphore_mem>>) src(%dma_wait3A_411 : memref<80x128xf32, #tpu.memory_space<vmem>>) dst(%dma_wait3A_408 : memref<80x128xf32, #tpu.memory_space<hbm>>)
    "tpu.region"() ({
      %run_scoped3A = tpu.sem_alloc : memref<!tpu.dma_semaphore, #tpu.memory_space<semaphore_mem>>
      %dma_start3A_534 = arith.constant 0 : i32
      %dma_start3A_535 = arith.constant 0 : i32
      %dma_start3A_536 = tpu.memref_slice %arg10[%dma_start3A_534, %dma_start3A_535] : memref<80x128xf32, #tpu.memory_space<vmem>> -> memref<80x128xf32, #tpu.memory_space<vmem>>
      %dma_start3A_537 = arith.constant 0 : i32
      %dma_start3A_538 = tpu.memref_slice %arg15[%add3A_399, %dma_start3A_537] : memref<10240x128xf32, #tpu.memory_space<vmem_shared>> -> memref<80x128xf32, #tpu.memory_space<vmem_shared>>
      %dma_start3A_539 = arith.constant 0 : i32
      %dma_start3A_540 = arith.constant 0 : i32
      %dma_start3A_541 = tpu.memref_slice %arg10[%dma_start3A_539, %dma_start3A_540] : memref<80x128xf32, #tpu.memory_space<vmem>> -> memref<80x128xf32, #tpu.memory_space<vmem>>
      %dma_start3A_542 = arith.constant 0 : i32
      %dma_start3A_543 = tpu.memref_slice %arg15[%add3A_399, %dma_start3A_542] : memref<10240x128xf32, #tpu.memory_space<vmem_shared>> -> memref<80x128xf32, #tpu.memory_space<vmem_shared>>
      tpu.enqueue_dma source(%dma_start3A_543 : memref<80x128xf32, #tpu.memory_space<vmem_shared>>) target(%dma_start3A_541 : memref<80x128xf32, #tpu.memory_space<vmem>>) target_semaphore(%run_scoped3A : memref<!tpu.dma_semaphore, #tpu.memory_space<semaphore_mem>>)
      %dma_wait3A_544 = arith.constant 0 : i32
      %dma_wait3A_545 = arith.constant 0 : i32
      %dma_wait3A_546 = tpu.memref_slice %arg10[%dma_wait3A_544, %dma_wait3A_545] : memref<80x128xf32, #tpu.memory_space<vmem>> -> memref<80x128xf32, #tpu.memory_space<vmem>>
      %dma_wait3A_547 = arith.constant 0 : i32
      %dma_wait3A_548 = tpu.memref_slice %arg15[%add3A_399, %dma_wait3A_547] : memref<10240x128xf32, #tpu.memory_space<vmem_shared>> -> memref<80x128xf32, #tpu.memory_space<vmem_shared>>
      %dma_wait3A_549 = arith.constant 0 : i32
      %dma_wait3A_550 = arith.constant 0 : i32
      %dma_wait3A_551 = tpu.memref_slice %arg10[%dma_wait3A_549, %dma_wait3A_550] : memref<80x128xf32, #tpu.memory_space<vmem>> -> memref<80x128xf32, #tpu.memory_space<vmem>>
      %dma_wait3A_552 = arith.constant 0 : i32
      %dma_wait3A_553 = tpu.memref_slice %arg15[%add3A_399, %dma_wait3A_552] : memref<10240x128xf32, #tpu.memory_space<vmem_shared>> -> memref<80x128xf32, #tpu.memory_space<vmem_shared>>
      tpu.wait_dma2 semaphore(%run_scoped3A : memref<!tpu.dma_semaphore, #tpu.memory_space<semaphore_mem>>) src(%dma_wait3A_553 : memref<80x128xf32, #tpu.memory_space<vmem_shared>>) dst(%dma_wait3A_551 : memref<80x128xf32, #tpu.memory_space<vmem>>)
      tpu.yield
    }) : () -> ()
    %dma_start3A_412 = arith.constant 0 : i32
    %dma_start3A_413 = arith.constant 0 : i32
    %dma_start3A_414 = tpu.memref_slice %arg10[%dma_start3A_412, %dma_start3A_413] : memref<80x128xf32, #tpu.memory_space<vmem>> -> memref<80x128xf32, #tpu.memory_space<vmem>>
    %dma_start3A_415 = arith.constant 0 : i32
    %dma_start3A_416 = tpu.memref_slice %arg7[%arg0, %add3A_399, %dma_start3A_415] : memref<2x10240x128xf32, #tpu.memory_space<hbm>> -> memref<1x80x128xf32, #tpu.memory_space<hbm>>
    %dma_start3A_417 = tpu.memref_squeeze %dma_start3A_416 : memref<1x80x128xf32, #tpu.memory_space<hbm>> -> memref<80x128xf32, #tpu.memory_space<hbm>>
    %dma_start3A_418 = arith.constant 0 : i32
    %dma_start3A_419 = tpu.memref_slice %arg7[%arg0, %add3A_399, %dma_start3A_418] : memref<2x10240x128xf32, #tpu.memory_space<hbm>> -> memref<1x80x128xf32, #tpu.memory_space<hbm>>
    %dma_start3A_420 = tpu.memref_squeeze %dma_start3A_419 : memref<1x80x128xf32, #tpu.memory_space<hbm>> -> memref<80x128xf32, #tpu.memory_space<hbm>>
    %dma_start3A_421 = arith.constant 0 : i32
    %dma_start3A_422 = arith.constant 0 : i32
    %dma_start3A_423 = tpu.memref_slice %arg10[%dma_start3A_421, %dma_start3A_422] : memref<80x128xf32, #tpu.memory_space<vmem>> -> memref<80x128xf32, #tpu.memory_space<vmem>>
    tpu.enqueue_dma source(%dma_start3A_423 : memref<80x128xf32, #tpu.memory_space<vmem>>) target(%dma_start3A_420 : memref<80x128xf32, #tpu.memory_space<hbm>>) target_semaphore(%arg22 : memref<!tpu.dma_semaphore, #tpu.memory_space<semaphore_mem>>)
    %mul3A_424 = arith.constant 640 : i32
    %mul3A_425 = arith.muli %arg1, %mul3A_424 : i32
    %add3A_426 = arith.constant 400 : i32
    %add3A_427 = arith.addi %mul3A_425, %add3A_426 : i32
    %dma_wait3A_428 = arith.constant 0 : i32
    %dma_wait3A_429 = arith.constant 0 : i32
    %dma_wait3A_430 = tpu.memref_slice %arg11[%dma_wait3A_428, %dma_wait3A_429] : memref<80x128xf32, #tpu.memory_space<vmem>> -> memref<80x128xf32, #tpu.memory_space<vmem>>
    %dma_wait3A_431 = arith.constant 0 : i32
    %dma_wait3A_432 = tpu.memref_slice %arg7[%arg0, %add3A_371, %dma_wait3A_431] : memref<2x10240x128xf32, #tpu.memory_space<hbm>> -> memref<1x80x128xf32, #tpu.memory_space<hbm>>
    %dma_wait3A_433 = tpu.memref_squeeze %dma_wait3A_432 : memref<1x80x128xf32, #tpu.memory_space<hbm>> -> memref<80x128xf32, #tpu.memory_space<hbm>>
    %dma_wait3A_434 = arith.constant 0 : i32
    %dma_wait3A_435 = tpu.memref_slice %arg7[%arg0, %add3A_371, %dma_wait3A_434] : memref<2x10240x128xf32, #tpu.memory_space<hbm>> -> memref<1x80x128xf32, #tpu.memory_space<hbm>>
    %dma_wait3A_436 = tpu.memref_squeeze %dma_wait3A_435 : memref<1x80x128xf32, #tpu.memory_space<hbm>> -> memref<80x128xf32, #tpu.memory_space<hbm>>
    %dma_wait3A_437 = arith.constant 0 : i32
    %dma_wait3A_438 = arith.constant 0 : i32
    %dma_wait3A_439 = tpu.memref_slice %arg11[%dma_wait3A_437, %dma_wait3A_438] : memref<80x128xf32, #tpu.memory_space<vmem>> -> memref<80x128xf32, #tpu.memory_space<vmem>>
    tpu.wait_dma2 semaphore(%arg22 : memref<!tpu.dma_semaphore, #tpu.memory_space<semaphore_mem>>) src(%dma_wait3A_439 : memref<80x128xf32, #tpu.memory_space<vmem>>) dst(%dma_wait3A_436 : memref<80x128xf32, #tpu.memory_space<hbm>>)
    "tpu.region"() ({
      %run_scoped3A = tpu.sem_alloc : memref<!tpu.dma_semaphore, #tpu.memory_space<semaphore_mem>>
      %dma_start3A_534 = arith.constant 0 : i32
      %dma_start3A_535 = arith.constant 0 : i32
      %dma_start3A_536 = tpu.memref_slice %arg11[%dma_start3A_534, %dma_start3A_535] : memref<80x128xf32, #tpu.memory_space<vmem>> -> memref<80x128xf32, #tpu.memory_space<vmem>>
      %dma_start3A_537 = arith.constant 0 : i32
      %dma_start3A_538 = tpu.memref_slice %arg15[%add3A_427, %dma_start3A_537] : memref<10240x128xf32, #tpu.memory_space<vmem_shared>> -> memref<80x128xf32, #tpu.memory_space<vmem_shared>>
      %dma_start3A_539 = arith.constant 0 : i32
      %dma_start3A_540 = arith.constant 0 : i32
      %dma_start3A_541 = tpu.memref_slice %arg11[%dma_start3A_539, %dma_start3A_540] : memref<80x128xf32, #tpu.memory_space<vmem>> -> memref<80x128xf32, #tpu.memory_space<vmem>>
      %dma_start3A_542 = arith.constant 0 : i32
      %dma_start3A_543 = tpu.memref_slice %arg15[%add3A_427, %dma_start3A_542] : memref<10240x128xf32, #tpu.memory_space<vmem_shared>> -> memref<80x128xf32, #tpu.memory_space<vmem_shared>>
      tpu.enqueue_dma source(%dma_start3A_543 : memref<80x128xf32, #tpu.memory_space<vmem_shared>>) target(%dma_start3A_541 : memref<80x128xf32, #tpu.memory_space<vmem>>) target_semaphore(%run_scoped3A : memref<!tpu.dma_semaphore, #tpu.memory_space<semaphore_mem>>)
      %dma_wait3A_544 = arith.constant 0 : i32
      %dma_wait3A_545 = arith.constant 0 : i32
      %dma_wait3A_546 = tpu.memref_slice %arg11[%dma_wait3A_544, %dma_wait3A_545] : memref<80x128xf32, #tpu.memory_space<vmem>> -> memref<80x128xf32, #tpu.memory_space<vmem>>
      %dma_wait3A_547 = arith.constant 0 : i32
      %dma_wait3A_548 = tpu.memref_slice %arg15[%add3A_427, %dma_wait3A_547] : memref<10240x128xf32, #tpu.memory_space<vmem_shared>> -> memref<80x128xf32, #tpu.memory_space<vmem_shared>>
      %dma_wait3A_549 = arith.constant 0 : i32
      %dma_wait3A_550 = arith.constant 0 : i32
      %dma_wait3A_551 = tpu.memref_slice %arg11[%dma_wait3A_549, %dma_wait3A_550] : memref<80x128xf32, #tpu.memory_space<vmem>> -> memref<80x128xf32, #tpu.memory_space<vmem>>
      %dma_wait3A_552 = arith.constant 0 : i32
      %dma_wait3A_553 = tpu.memref_slice %arg15[%add3A_427, %dma_wait3A_552] : memref<10240x128xf32, #tpu.memory_space<vmem_shared>> -> memref<80x128xf32, #tpu.memory_space<vmem_shared>>
      tpu.wait_dma2 semaphore(%run_scoped3A : memref<!tpu.dma_semaphore, #tpu.memory_space<semaphore_mem>>) src(%dma_wait3A_553 : memref<80x128xf32, #tpu.memory_space<vmem_shared>>) dst(%dma_wait3A_551 : memref<80x128xf32, #tpu.memory_space<vmem>>)
      tpu.yield
    }) : () -> ()
    %dma_start3A_440 = arith.constant 0 : i32
    %dma_start3A_441 = arith.constant 0 : i32
    %dma_start3A_442 = tpu.memref_slice %arg11[%dma_start3A_440, %dma_start3A_441] : memref<80x128xf32, #tpu.memory_space<vmem>> -> memref<80x128xf32, #tpu.memory_space<vmem>>
    %dma_start3A_443 = arith.constant 0 : i32
    %dma_start3A_444 = tpu.memref_slice %arg7[%arg0, %add3A_427, %dma_start3A_443] : memref<2x10240x128xf32, #tpu.memory_space<hbm>> -> memref<1x80x128xf32, #tpu.memory_space<hbm>>
    %dma_start3A_445 = tpu.memref_squeeze %dma_start3A_444 : memref<1x80x128xf32, #tpu.memory_space<hbm>> -> memref<80x128xf32, #tpu.memory_space<hbm>>
    %dma_start3A_446 = arith.constant 0 : i32
    %dma_start3A_447 = tpu.memref_slice %arg7[%arg0, %add3A_427, %dma_start3A_446] : memref<2x10240x128xf32, #tpu.memory_space<hbm>> -> memref<1x80x128xf32, #tpu.memory_space<hbm>>
    %dma_start3A_448 = tpu.memref_squeeze %dma_start3A_447 : memref<1x80x128xf32, #tpu.memory_space<hbm>> -> memref<80x128xf32, #tpu.memory_space<hbm>>
    %dma_start3A_449 = arith.constant 0 : i32
    %dma_start3A_450 = arith.constant 0 : i32
    %dma_start3A_451 = tpu.memref_slice %arg11[%dma_start3A_449, %dma_start3A_450] : memref<80x128xf32, #tpu.memory_space<vmem>> -> memref<80x128xf32, #tpu.memory_space<vmem>>
    tpu.enqueue_dma source(%dma_start3A_451 : memref<80x128xf32, #tpu.memory_space<vmem>>) target(%dma_start3A_448 : memref<80x128xf32, #tpu.memory_space<hbm>>) target_semaphore(%arg22 : memref<!tpu.dma_semaphore, #tpu.memory_space<semaphore_mem>>)
    %mul3A_452 = arith.constant 640 : i32
    %mul3A_453 = arith.muli %arg1, %mul3A_452 : i32
    %add3A_454 = arith.constant 480 : i32
    %add3A_455 = arith.addi %mul3A_453, %add3A_454 : i32
    %dma_wait3A_456 = arith.constant 0 : i32
    %dma_wait3A_457 = arith.constant 0 : i32
    %dma_wait3A_458 = tpu.memref_slice %arg10[%dma_wait3A_456, %dma_wait3A_457] : memref<80x128xf32, #tpu.memory_space<vmem>> -> memref<80x128xf32, #tpu.memory_space<vmem>>
    %dma_wait3A_459 = arith.constant 0 : i32
    %dma_wait3A_460 = tpu.memref_slice %arg7[%arg0, %add3A_399, %dma_wait3A_459] : memref<2x10240x128xf32, #tpu.memory_space<hbm>> -> memref<1x80x128xf32, #tpu.memory_space<hbm>>
    %dma_wait3A_461 = tpu.memref_squeeze %dma_wait3A_460 : memref<1x80x128xf32, #tpu.memory_space<hbm>> -> memref<80x128xf32, #tpu.memory_space<hbm>>
    %dma_wait3A_462 = arith.constant 0 : i32
    %dma_wait3A_463 = tpu.memref_slice %arg7[%arg0, %add3A_399, %dma_wait3A_462] : memref<2x10240x128xf32, #tpu.memory_space<hbm>> -> memref<1x80x128xf32, #tpu.memory_space<hbm>>
    %dma_wait3A_464 = tpu.memref_squeeze %dma_wait3A_463 : memref<1x80x128xf32, #tpu.memory_space<hbm>> -> memref<80x128xf32, #tpu.memory_space<hbm>>
    %dma_wait3A_465 = arith.constant 0 : i32
    %dma_wait3A_466 = arith.constant 0 : i32
    %dma_wait3A_467 = tpu.memref_slice %arg10[%dma_wait3A_465, %dma_wait3A_466] : memref<80x128xf32, #tpu.memory_space<vmem>> -> memref<80x128xf32, #tpu.memory_space<vmem>>
    tpu.wait_dma2 semaphore(%arg22 : memref<!tpu.dma_semaphore, #tpu.memory_space<semaphore_mem>>) src(%dma_wait3A_467 : memref<80x128xf32, #tpu.memory_space<vmem>>) dst(%dma_wait3A_464 : memref<80x128xf32, #tpu.memory_space<hbm>>)
    "tpu.region"() ({
      %run_scoped3A = tpu.sem_alloc : memref<!tpu.dma_semaphore, #tpu.memory_space<semaphore_mem>>
      %dma_start3A_534 = arith.constant 0 : i32
      %dma_start3A_535 = arith.constant 0 : i32
      %dma_start3A_536 = tpu.memref_slice %arg10[%dma_start3A_534, %dma_start3A_535] : memref<80x128xf32, #tpu.memory_space<vmem>> -> memref<80x128xf32, #tpu.memory_space<vmem>>
      %dma_start3A_537 = arith.constant 0 : i32
      %dma_start3A_538 = tpu.memref_slice %arg15[%add3A_455, %dma_start3A_537] : memref<10240x128xf32, #tpu.memory_space<vmem_shared>> -> memref<80x128xf32, #tpu.memory_space<vmem_shared>>
      %dma_start3A_539 = arith.constant 0 : i32
      %dma_start3A_540 = arith.constant 0 : i32
      %dma_start3A_541 = tpu.memref_slice %arg10[%dma_start3A_539, %dma_start3A_540] : memref<80x128xf32, #tpu.memory_space<vmem>> -> memref<80x128xf32, #tpu.memory_space<vmem>>
      %dma_start3A_542 = arith.constant 0 : i32
      %dma_start3A_543 = tpu.memref_slice %arg15[%add3A_455, %dma_start3A_542] : memref<10240x128xf32, #tpu.memory_space<vmem_shared>> -> memref<80x128xf32, #tpu.memory_space<vmem_shared>>
      tpu.enqueue_dma source(%dma_start3A_543 : memref<80x128xf32, #tpu.memory_space<vmem_shared>>) target(%dma_start3A_541 : memref<80x128xf32, #tpu.memory_space<vmem>>) target_semaphore(%run_scoped3A : memref<!tpu.dma_semaphore, #tpu.memory_space<semaphore_mem>>)
      %dma_wait3A_544 = arith.constant 0 : i32
      %dma_wait3A_545 = arith.constant 0 : i32
      %dma_wait3A_546 = tpu.memref_slice %arg10[%dma_wait3A_544, %dma_wait3A_545] : memref<80x128xf32, #tpu.memory_space<vmem>> -> memref<80x128xf32, #tpu.memory_space<vmem>>
      %dma_wait3A_547 = arith.constant 0 : i32
      %dma_wait3A_548 = tpu.memref_slice %arg15[%add3A_455, %dma_wait3A_547] : memref<10240x128xf32, #tpu.memory_space<vmem_shared>> -> memref<80x128xf32, #tpu.memory_space<vmem_shared>>
      %dma_wait3A_549 = arith.constant 0 : i32
      %dma_wait3A_550 = arith.constant 0 : i32
      %dma_wait3A_551 = tpu.memref_slice %arg10[%dma_wait3A_549, %dma_wait3A_550] : memref<80x128xf32, #tpu.memory_space<vmem>> -> memref<80x128xf32, #tpu.memory_space<vmem>>
      %dma_wait3A_552 = arith.constant 0 : i32
      %dma_wait3A_553 = tpu.memref_slice %arg15[%add3A_455, %dma_wait3A_552] : memref<10240x128xf32, #tpu.memory_space<vmem_shared>> -> memref<80x128xf32, #tpu.memory_space<vmem_shared>>
      tpu.wait_dma2 semaphore(%run_scoped3A : memref<!tpu.dma_semaphore, #tpu.memory_space<semaphore_mem>>) src(%dma_wait3A_553 : memref<80x128xf32, #tpu.memory_space<vmem_shared>>) dst(%dma_wait3A_551 : memref<80x128xf32, #tpu.memory_space<vmem>>)
      tpu.yield
    }) : () -> ()
    %dma_start3A_468 = arith.constant 0 : i32
    %dma_start3A_469 = arith.constant 0 : i32
    %dma_start3A_470 = tpu.memref_slice %arg10[%dma_start3A_468, %dma_start3A_469] : memref<80x128xf32, #tpu.memory_space<vmem>> -> memref<80x128xf32, #tpu.memory_space<vmem>>
    %dma_start3A_471 = arith.constant 0 : i32
    %dma_start3A_472 = tpu.memref_slice %arg7[%arg0, %add3A_455, %dma_start3A_471] : memref<2x10240x128xf32, #tpu.memory_space<hbm>> -> memref<1x80x128xf32, #tpu.memory_space<hbm>>
    %dma_start3A_473 = tpu.memref_squeeze %dma_start3A_472 : memref<1x80x128xf32, #tpu.memory_space<hbm>> -> memref<80x128xf32, #tpu.memory_space<hbm>>
    %dma_start3A_474 = arith.constant 0 : i32
    %dma_start3A_475 = tpu.memref_slice %arg7[%arg0, %add3A_455, %dma_start3A_474] : memref<2x10240x128xf32, #tpu.memory_space<hbm>> -> memref<1x80x128xf32, #tpu.memory_space<hbm>>
    %dma_start3A_476 = tpu.memref_squeeze %dma_start3A_475 : memref<1x80x128xf32, #tpu.memory_space<hbm>> -> memref<80x128xf32, #tpu.memory_space<hbm>>
    %dma_start3A_477 = arith.constant 0 : i32
    %dma_start3A_478 = arith.constant 0 : i32
    %dma_start3A_479 = tpu.memref_slice %arg10[%dma_start3A_477, %dma_start3A_478] : memref<80x128xf32, #tpu.memory_space<vmem>> -> memref<80x128xf32, #tpu.memory_space<vmem>>
    tpu.enqueue_dma source(%dma_start3A_479 : memref<80x128xf32, #tpu.memory_space<vmem>>) target(%dma_start3A_476 : memref<80x128xf32, #tpu.memory_space<hbm>>) target_semaphore(%arg22 : memref<!tpu.dma_semaphore, #tpu.memory_space<semaphore_mem>>)
    %mul3A_480 = arith.constant 640 : i32
    %mul3A_481 = arith.muli %arg1, %mul3A_480 : i32
    %add3A_482 = arith.constant 560 : i32
    %add3A_483 = arith.addi %mul3A_481, %add3A_482 : i32
    %dma_wait3A_484 = arith.constant 0 : i32
    %dma_wait3A_485 = arith.constant 0 : i32
    %dma_wait3A_486 = tpu.memref_slice %arg11[%dma_wait3A_484, %dma_wait3A_485] : memref<80x128xf32, #tpu.memory_space<vmem>> -> memref<80x128xf32, #tpu.memory_space<vmem>>
    %dma_wait3A_487 = arith.constant 0 : i32
    %dma_wait3A_488 = tpu.memref_slice %arg7[%arg0, %add3A_427, %dma_wait3A_487] : memref<2x10240x128xf32, #tpu.memory_space<hbm>> -> memref<1x80x128xf32, #tpu.memory_space<hbm>>
    %dma_wait3A_489 = tpu.memref_squeeze %dma_wait3A_488 : memref<1x80x128xf32, #tpu.memory_space<hbm>> -> memref<80x128xf32, #tpu.memory_space<hbm>>
    %dma_wait3A_490 = arith.constant 0 : i32
    %dma_wait3A_491 = tpu.memref_slice %arg7[%arg0, %add3A_427, %dma_wait3A_490] : memref<2x10240x128xf32, #tpu.memory_space<hbm>> -> memref<1x80x128xf32, #tpu.memory_space<hbm>>
    %dma_wait3A_492 = tpu.memref_squeeze %dma_wait3A_491 : memref<1x80x128xf32, #tpu.memory_space<hbm>> -> memref<80x128xf32, #tpu.memory_space<hbm>>
    %dma_wait3A_493 = arith.constant 0 : i32
    %dma_wait3A_494 = arith.constant 0 : i32
    %dma_wait3A_495 = tpu.memref_slice %arg11[%dma_wait3A_493, %dma_wait3A_494] : memref<80x128xf32, #tpu.memory_space<vmem>> -> memref<80x128xf32, #tpu.memory_space<vmem>>
    tpu.wait_dma2 semaphore(%arg22 : memref<!tpu.dma_semaphore, #tpu.memory_space<semaphore_mem>>) src(%dma_wait3A_495 : memref<80x128xf32, #tpu.memory_space<vmem>>) dst(%dma_wait3A_492 : memref<80x128xf32, #tpu.memory_space<hbm>>)
    "tpu.region"() ({
      %run_scoped3A = tpu.sem_alloc : memref<!tpu.dma_semaphore, #tpu.memory_space<semaphore_mem>>
      %dma_start3A_534 = arith.constant 0 : i32
      %dma_start3A_535 = arith.constant 0 : i32
      %dma_start3A_536 = tpu.memref_slice %arg11[%dma_start3A_534, %dma_start3A_535] : memref<80x128xf32, #tpu.memory_space<vmem>> -> memref<80x128xf32, #tpu.memory_space<vmem>>
      %dma_start3A_537 = arith.constant 0 : i32
      %dma_start3A_538 = tpu.memref_slice %arg15[%add3A_483, %dma_start3A_537] : memref<10240x128xf32, #tpu.memory_space<vmem_shared>> -> memref<80x128xf32, #tpu.memory_space<vmem_shared>>
      %dma_start3A_539 = arith.constant 0 : i32
      %dma_start3A_540 = arith.constant 0 : i32
      %dma_start3A_541 = tpu.memref_slice %arg11[%dma_start3A_539, %dma_start3A_540] : memref<80x128xf32, #tpu.memory_space<vmem>> -> memref<80x128xf32, #tpu.memory_space<vmem>>
      %dma_start3A_542 = arith.constant 0 : i32
      %dma_start3A_543 = tpu.memref_slice %arg15[%add3A_483, %dma_start3A_542] : memref<10240x128xf32, #tpu.memory_space<vmem_shared>> -> memref<80x128xf32, #tpu.memory_space<vmem_shared>>
      tpu.enqueue_dma source(%dma_start3A_543 : memref<80x128xf32, #tpu.memory_space<vmem_shared>>) target(%dma_start3A_541 : memref<80x128xf32, #tpu.memory_space<vmem>>) target_semaphore(%run_scoped3A : memref<!tpu.dma_semaphore, #tpu.memory_space<semaphore_mem>>)
      %dma_wait3A_544 = arith.constant 0 : i32
      %dma_wait3A_545 = arith.constant 0 : i32
      %dma_wait3A_546 = tpu.memref_slice %arg11[%dma_wait3A_544, %dma_wait3A_545] : memref<80x128xf32, #tpu.memory_space<vmem>> -> memref<80x128xf32, #tpu.memory_space<vmem>>
      %dma_wait3A_547 = arith.constant 0 : i32
      %dma_wait3A_548 = tpu.memref_slice %arg15[%add3A_483, %dma_wait3A_547] : memref<10240x128xf32, #tpu.memory_space<vmem_shared>> -> memref<80x128xf32, #tpu.memory_space<vmem_shared>>
      %dma_wait3A_549 = arith.constant 0 : i32
      %dma_wait3A_550 = arith.constant 0 : i32
      %dma_wait3A_551 = tpu.memref_slice %arg11[%dma_wait3A_549, %dma_wait3A_550] : memref<80x128xf32, #tpu.memory_space<vmem>> -> memref<80x128xf32, #tpu.memory_space<vmem>>
      %dma_wait3A_552 = arith.constant 0 : i32
      %dma_wait3A_553 = tpu.memref_slice %arg15[%add3A_483, %dma_wait3A_552] : memref<10240x128xf32, #tpu.memory_space<vmem_shared>> -> memref<80x128xf32, #tpu.memory_space<vmem_shared>>
      tpu.wait_dma2 semaphore(%run_scoped3A : memref<!tpu.dma_semaphore, #tpu.memory_space<semaphore_mem>>) src(%dma_wait3A_553 : memref<80x128xf32, #tpu.memory_space<vmem_shared>>) dst(%dma_wait3A_551 : memref<80x128xf32, #tpu.memory_space<vmem>>)
      tpu.yield
    }) : () -> ()
    %dma_start3A_496 = arith.constant 0 : i32
    %dma_start3A_497 = arith.constant 0 : i32
    %dma_start3A_498 = tpu.memref_slice %arg11[%dma_start3A_496, %dma_start3A_497] : memref<80x128xf32, #tpu.memory_space<vmem>> -> memref<80x128xf32, #tpu.memory_space<vmem>>
    %dma_start3A_499 = arith.constant 0 : i32
    %dma_start3A_500 = tpu.memref_slice %arg7[%arg0, %add3A_483, %dma_start3A_499] : memref<2x10240x128xf32, #tpu.memory_space<hbm>> -> memref<1x80x128xf32, #tpu.memory_space<hbm>>
    %dma_start3A_501 = tpu.memref_squeeze %dma_start3A_500 : memref<1x80x128xf32, #tpu.memory_space<hbm>> -> memref<80x128xf32, #tpu.memory_space<hbm>>
    %dma_start3A_502 = arith.constant 0 : i32
    %dma_start3A_503 = tpu.memref_slice %arg7[%arg0, %add3A_483, %dma_start3A_502] : memref<2x10240x128xf32, #tpu.memory_space<hbm>> -> memref<1x80x128xf32, #tpu.memory_space<hbm>>
    %dma_start3A_504 = tpu.memref_squeeze %dma_start3A_503 : memref<1x80x128xf32, #tpu.memory_space<hbm>> -> memref<80x128xf32, #tpu.memory_space<hbm>>
    %dma_start3A_505 = arith.constant 0 : i32
    %dma_start3A_506 = arith.constant 0 : i32
    %dma_start3A_507 = tpu.memref_slice %arg11[%dma_start3A_505, %dma_start3A_506] : memref<80x128xf32, #tpu.memory_space<vmem>> -> memref<80x128xf32, #tpu.memory_space<vmem>>
    tpu.enqueue_dma source(%dma_start3A_507 : memref<80x128xf32, #tpu.memory_space<vmem>>) target(%dma_start3A_504 : memref<80x128xf32, #tpu.memory_space<hbm>>) target_semaphore(%arg22 : memref<!tpu.dma_semaphore, #tpu.memory_space<semaphore_mem>>)
    %mul3A_508 = arith.constant 640 : i32
    %mul3A_509 = arith.muli %arg1, %mul3A_508 : i32
    "tpu.region"() ({
      %run_scoped3A = tpu.sem_alloc : memref<!tpu.dma_semaphore, #tpu.memory_space<semaphore_mem>>
      %dma_start3A_534 = tpu.memref_slice %arg16[%mul3A_509] : memref<10240xf32, #tpu.memory_space<vmem_shared>> -> memref<640xf32, #tpu.memory_space<vmem_shared>>
      %dma_start3A_535 = tpu.memref_slice %arg16[%mul3A_509] : memref<10240xf32, #tpu.memory_space<vmem_shared>> -> memref<640xf32, #tpu.memory_space<vmem_shared>>
      tpu.enqueue_dma source(%dma_start3A_535 : memref<640xf32, #tpu.memory_space<vmem_shared>>) target(%arg14 : memref<640xf32, #tpu.memory_space<vmem>>) target_semaphore(%run_scoped3A : memref<!tpu.dma_semaphore, #tpu.memory_space<semaphore_mem>>)
      %dma_wait3A_536 = tpu.memref_slice %arg16[%mul3A_509] : memref<10240xf32, #tpu.memory_space<vmem_shared>> -> memref<640xf32, #tpu.memory_space<vmem_shared>>
      %dma_wait3A_537 = tpu.memref_slice %arg16[%mul3A_509] : memref<10240xf32, #tpu.memory_space<vmem_shared>> -> memref<640xf32, #tpu.memory_space<vmem_shared>>
      tpu.wait_dma2 semaphore(%run_scoped3A : memref<!tpu.dma_semaphore, #tpu.memory_space<semaphore_mem>>) src(%dma_wait3A_537 : memref<640xf32, #tpu.memory_space<vmem_shared>>) dst(%arg14 : memref<640xf32, #tpu.memory_space<vmem>>)
      tpu.yield
    }) : () -> ()
    "tpu.region"() ({
      %run_scoped3A = tpu.sem_alloc : memref<!tpu.dma_semaphore, #tpu.memory_space<semaphore_mem>>
      %dma_start3A_534 = arith.constant 0 : i32
      %dma_start3A_535 = tpu.memref_slice %arg8[%arg0, %arg1, %dma_start3A_534] : memref<2x16x640xf32, #tpu.memory_space<hbm>> -> memref<1x1x640xf32, #tpu.memory_space<hbm>>
      %dma_start3A_536 = tpu.memref_squeeze %dma_start3A_535 : memref<1x1x640xf32, #tpu.memory_space<hbm>> -> memref<640xf32, #tpu.memory_space<hbm>>
      %dma_start3A_537 = arith.constant 0 : i32
      %dma_start3A_538 = tpu.memref_slice %arg8[%arg0, %arg1, %dma_start3A_537] : memref<2x16x640xf32, #tpu.memory_space<hbm>> -> memref<1x1x640xf32, #tpu.memory_space<hbm>>
      %dma_start3A_539 = tpu.memref_squeeze %dma_start3A_538 : memref<1x1x640xf32, #tpu.memory_space<hbm>> -> memref<640xf32, #tpu.memory_space<hbm>>
      tpu.enqueue_dma source(%arg14 : memref<640xf32, #tpu.memory_space<vmem>>) target(%dma_start3A_539 : memref<640xf32, #tpu.memory_space<hbm>>) target_semaphore(%run_scoped3A : memref<!tpu.dma_semaphore, #tpu.memory_space<semaphore_mem>>)
      %dma_wait3A_540 = arith.constant 0 : i32
      %dma_wait3A_541 = tpu.memref_slice %arg8[%arg0, %arg1, %dma_wait3A_540] : memref<2x16x640xf32, #tpu.memory_space<hbm>> -> memref<1x1x640xf32, #tpu.memory_space<hbm>>
      %dma_wait3A_542 = tpu.memref_squeeze %dma_wait3A_541 : memref<1x1x640xf32, #tpu.memory_space<hbm>> -> memref<640xf32, #tpu.memory_space<hbm>>
      %dma_wait3A_543 = arith.constant 0 : i32
      %dma_wait3A_544 = tpu.memref_slice %arg8[%arg0, %arg1, %dma_wait3A_543] : memref<2x16x640xf32, #tpu.memory_space<hbm>> -> memref<1x1x640xf32, #tpu.memory_space<hbm>>
      %dma_wait3A_545 = tpu.memref_squeeze %dma_wait3A_544 : memref<1x1x640xf32, #tpu.memory_space<hbm>> -> memref<640xf32, #tpu.memory_space<hbm>>
      tpu.wait_dma2 semaphore(%run_scoped3A : memref<!tpu.dma_semaphore, #tpu.memory_space<semaphore_mem>>) src(%arg14 : memref<640xf32, #tpu.memory_space<vmem>>) dst(%dma_wait3A_545 : memref<640xf32, #tpu.memory_space<hbm>>)
      tpu.yield
    }) : () -> ()
    %dma_wait3A_510 = arith.constant 0 : i32
    %dma_wait3A_511 = arith.constant 0 : i32
    %dma_wait3A_512 = tpu.memref_slice %arg10[%dma_wait3A_510, %dma_wait3A_511] : memref<80x128xf32, #tpu.memory_space<vmem>> -> memref<80x128xf32, #tpu.memory_space<vmem>>
    %dma_wait3A_513 = arith.constant 0 : i32
    %dma_wait3A_514 = tpu.memref_slice %arg7[%arg0, %add3A_455, %dma_wait3A_513] : memref<2x10240x128xf32, #tpu.memory_space<hbm>> -> memref<1x80x128xf32, #tpu.memory_space<hbm>>
    %dma_wait3A_515 = tpu.memref_squeeze %dma_wait3A_514 : memref<1x80x128xf32, #tpu.memory_space<hbm>> -> memref<80x128xf32, #tpu.memory_space<hbm>>
    %dma_wait3A_516 = arith.constant 0 : i32
    %dma_wait3A_517 = tpu.memref_slice %arg7[%arg0, %add3A_455, %dma_wait3A_516] : memref<2x10240x128xf32, #tpu.memory_space<hbm>> -> memref<1x80x128xf32, #tpu.memory_space<hbm>>
    %dma_wait3A_518 = tpu.memref_squeeze %dma_wait3A_517 : memref<1x80x128xf32, #tpu.memory_space<hbm>> -> memref<80x128xf32, #tpu.memory_space<hbm>>
    %dma_wait3A_519 = arith.constant 0 : i32
    %dma_wait3A_520 = arith.constant 0 : i32
    %dma_wait3A_521 = tpu.memref_slice %arg10[%dma_wait3A_519, %dma_wait3A_520] : memref<80x128xf32, #tpu.memory_space<vmem>> -> memref<80x128xf32, #tpu.memory_space<vmem>>
    tpu.wait_dma2 semaphore(%arg22 : memref<!tpu.dma_semaphore, #tpu.memory_space<semaphore_mem>>) src(%dma_wait3A_521 : memref<80x128xf32, #tpu.memory_space<vmem>>) dst(%dma_wait3A_518 : memref<80x128xf32, #tpu.memory_space<hbm>>)
    %dma_wait3A_522 = arith.constant 0 : i32
    %dma_wait3A_523 = arith.constant 0 : i32
    %dma_wait3A_524 = tpu.memref_slice %arg11[%dma_wait3A_522, %dma_wait3A_523] : memref<80x128xf32, #tpu.memory_space<vmem>> -> memref<80x128xf32, #tpu.memory_space<vmem>>
    %dma_wait3A_525 = arith.constant 0 : i32
    %dma_wait3A_526 = tpu.memref_slice %arg7[%arg0, %add3A_483, %dma_wait3A_525] : memref<2x10240x128xf32, #tpu.memory_space<hbm>> -> memref<1x80x128xf32, #tpu.memory_space<hbm>>
    %dma_wait3A_527 = tpu.memref_squeeze %dma_wait3A_526 : memref<1x80x128xf32, #tpu.memory_space<hbm>> -> memref<80x128xf32, #tpu.memory_space<hbm>>
    %dma_wait3A_528 = arith.constant 0 : i32
    %dma_wait3A_529 = tpu.memref_slice %arg7[%arg0, %add3A_483, %dma_wait3A_528] : memref<2x10240x128xf32, #tpu.memory_space<hbm>> -> memref<1x80x128xf32, #tpu.memory_space<hbm>>
    %dma_wait3A_530 = tpu.memref_squeeze %dma_wait3A_529 : memref<1x80x128xf32, #tpu.memory_space<hbm>> -> memref<80x128xf32, #tpu.memory_space<hbm>>
    %dma_wait3A_531 = arith.constant 0 : i32
    %dma_wait3A_532 = arith.constant 0 : i32
    %dma_wait3A_533 = tpu.memref_slice %arg11[%dma_wait3A_531, %dma_wait3A_532] : memref<80x128xf32, #tpu.memory_space<vmem>> -> memref<80x128xf32, #tpu.memory_space<vmem>>
    tpu.wait_dma2 semaphore(%arg22 : memref<!tpu.dma_semaphore, #tpu.memory_space<semaphore_mem>>) src(%dma_wait3A_533 : memref<80x128xf32, #tpu.memory_space<vmem>>) dst(%dma_wait3A_530 : memref<80x128xf32, #tpu.memory_space<hbm>>)
    return
  }
}

module attributes {stable_mosaic.version = 14 : i64} {
  func.func @_combine_body(%arg0: i32, %arg1: memref<2x1000x128xf32, #tpu.memory_space<vmem>>, %arg2: memref<2x1000x1xf32, #tpu.memory_space<vmem>>, %arg3: memref<1000x128xf32, #tpu.memory_space<vmem>>) attributes {dimension_semantics = [#tpu.dimension_semantics<arbitrary>], iteration_bounds = array<i64: 10>, scalar_prefetch = 0 : i64, scratch_operands = 0 : i64, tpu.core_type = #tpu.core_type<tc>, window_params = [{transform_indices = @transform_0, window_bounds = array<i64: 2, 1000, 128>}, {transform_indices = @transform_1, window_bounds = array<i64: 2, 1000, 1>}, {transform_indices = @transform_2, window_bounds = array<i64: 1000, 128>}]} {
    %get3A = arith.constant 0 : index
    %get3A_0 = arith.constant 0 : index
    %get3A_1 = arith.constant 0 : index
    %get3A_2 = vector.load %arg1[%get3A, %get3A_0, %get3A_1] : memref<2x1000x128xf32, #tpu.memory_space<vmem>>, vector<1x1000x128xf32>
    %get3A_3 = vector.shape_cast %get3A_2 : vector<1x1000x128xf32> to vector<1000x128xf32>
    %get3A_4 = arith.constant 1 : index
    %get3A_5 = arith.constant 0 : index
    %get3A_6 = arith.constant 0 : index
    %get3A_7 = vector.load %arg1[%get3A_4, %get3A_5, %get3A_6] : memref<2x1000x128xf32, #tpu.memory_space<vmem>>, vector<1x1000x128xf32>
    %get3A_8 = vector.shape_cast %get3A_7 : vector<1x1000x128xf32> to vector<1000x128xf32>
    %add3A = arith.addf %get3A_3, %get3A_8 : vector<1000x128xf32>
    %get3A_9 = arith.constant 0 : index
    %get3A_10 = arith.constant 0 : index
    %get3A_11 = arith.constant 0 : index
    %get3A_12 = vector.load %arg2[%get3A_9, %get3A_10, %get3A_11] : memref<2x1000x1xf32, #tpu.memory_space<vmem>>, vector<1x1000x1xf32>
    %get3A_13 = vector.shape_cast %get3A_12 : vector<1x1000x1xf32> to vector<1000x1xf32>
    %get3A_14 = arith.constant 1 : index
    %get3A_15 = arith.constant 0 : index
    %get3A_16 = arith.constant 0 : index
    %get3A_17 = vector.load %arg2[%get3A_14, %get3A_15, %get3A_16] : memref<2x1000x1xf32, #tpu.memory_space<vmem>>, vector<1x1000x1xf32>
    %get3A_18 = vector.shape_cast %get3A_17 : vector<1x1000x1xf32> to vector<1000x1xf32>
    %add3A_19 = arith.addf %get3A_13, %get3A_18 : vector<1000x1xf32>
    %max3A = arith.constant 1.000000e+00 : f32
    %max3A_20 = vector.broadcast %max3A : f32 to vector<1000x1xf32>
    %max3A_21 = arith.maximumf %add3A_19, %max3A_20 : vector<1000x1xf32>
    %div3A = vector.broadcast %max3A_21 : vector<1000x1xf32> to vector<1000x128xf32>
    %div3A_22 = arith.divf %add3A, %div3A : vector<1000x128xf32>
    %swap3A = arith.constant 0 : index
    %swap3A_23 = arith.constant 0 : index
    %swap3A_24 = vector.load %arg3[%swap3A, %swap3A_23] : memref<1000x128xf32, #tpu.memory_space<vmem>>, vector<1000x128xf32>
    tpu.vector_store %arg3[%swap3A, %swap3A_23], %div3A_22 {strides = array<i32>} : memref<1000x128xf32, #tpu.memory_space<vmem>>, vector<1000x128xf32>,
    return
  }
  func.func @transform_0(%arg0: i32) -> (i32, i32, i32) {
    %c0_i32 = arith.constant 0 : i32
    %c0_i32_0 = arith.constant 0 : i32
    %c0_i32_1 = arith.constant 0 : i32
    return %c0_i32, %arg0, %c0_i32_0 : i32, i32, i32
  }
  func.func @transform_1(%arg0: i32) -> (i32, i32, i32) {
    %c0_i32 = arith.constant 0 : i32
    %c0_i32_0 = arith.constant 0 : i32
    %c0_i32_1 = arith.constant 0 : i32
    return %c0_i32, %arg0, %c0_i32_0 : i32, i32, i32
  }
  func.func @transform_2(%arg0: i32) -> (i32, i32) {
    %c0_i32 = arith.constant 0 : i32
    %c0_i32_0 = arith.constant 0 : i32
    return %arg0, %c0_i32 : i32, i32
  }
}

</mosaic_0001>

<sc_bundles>
// kernel: kernel.4.cloned.1.call-start
scs
__scs_entry_jumppad:
0x0: {  	(pc) =	sbr.rel $0x88, $3  }
0x1: {  	(tag) =	ssettag $0x0;
	lr =	simm.s32 $0x1  }
0x2: {  	[smem:$0x3F9F] =	sst lr;
	_ =	strace $0xD0000000  }
0x3: {  	_ = 	snop  }
0x4: {  	_ = 	snop  }
0x5: {  	_ = 	snop  }
0x6: {  	_ = 	snop  }
0x7: {  	_ = 	snop  }
__scs_overlays_trampoline_lowered:
0x8: {  	[smem:$0x3FAE] =	sst s0  }
0x9: {  	[smem:$0x3FAF] =	sst s1  }
0xa: {  	[smem:$0x3FB0] =	sst s2  }
0xb: {  	[smem:$0x3FB1] =	sst s3  }
0xc: {  	[smem:$0x3FB2] =	sst s4  }
0xd: {  	[smem:$0x3FB3] =	sst s5  }
0xe: {  	[smem:$0x3FB4] =	sst s6  }
0xf: {  	[smem:$0x3FB5] =	sst s7  }
0x10: {  	[smem:$0x3FB6] =	sst s8  }
0x11: {  	[smem:$0x3FB7] =	sst s9;
	s0 =	simm.s32 @!p0 $0x0  }
0x12: {  	s1 =	sld [smem:$0x3F9D];
	s0 =	simm.s32 @p0 $0x1  }
0x13: {  	[smem:$0x3FB8] =	sst s0;
	s0 =	simm.s32 @!p1 $0x0  }
0x14: {  	s2 =	sld [smem:$0x3F9C];
	s0 =	simm.s32 @p1 $0x1  }
0x15: {  	[smem:$0x3FB9] =	sst s0;
	s0 =	simm.s32 @!p2 $0x0  }
0x16: {  	s3 =	sld [smem:$0x3FDB];
	s0 =	simm.s32 @p2 $0x1  }
0x17: {  	s4 =	simm.s32 $0x1BF5;
	[smem:$0x3FBB] =	sst s0  }
0x18: {  	s0 =	sld [smem:$0x3F9E];
	_ =	swait.ge [sflag:s4], $0x0  }
0x19: {  	s7 =	sld [smem:$0x3F9F]  }
0x1a: {  	s8 =	sadd.s32 $0xFFFFE003, lr  }
0x1b: {  	s9 =	sadd.s32 $0xFFFFFEF7, lr;
	s5 =	simm.s32 $0xFFFFFFFF;
	p2 =	slt.u32 s8, $0xFFFFF086  }
0x1c: {  	p1 =	slt.u32 s9, $0xF7A;
	s5 =	simm.s32 @!p2 $0x0  }
0x1d: {  	s5 =	simm.s32 @p1 $0x1;
	p0 =	seq.s32 s7, s2  }
0x1e: {  	s7 =	smul.u32 @!p0 $0xF7A, s2;
	p2 =	seq.s32 @!p0 s5, $0x0  }
0x1f: {  	s9 =	smul.u32 $0xF7A, s1;
	s8 =	simm.s32 @!p0 $0x1BF5;
	p2 =	por !p2, p0  }
0x20: {  	[sflag:s8] =	ssyncset.s32 @!p0 $0xFFFFF086;
	s6 =	sadd.s32 @!p0 s3, s7;
	s7 =	simm.s32 @!p0 $0x108  }
0x21: {  	s3 =	sadd.s32 s3, s9;
	s6 =	sadd.s32 @!p0 $0x88, s6;
	s7 =	simm.s32 @p2 $0x1082  }
0x22: {  	[simem:s7], [sflag:s8] =	dma.local @!p0 [hbm:s6], $0xF7A  }
0x23: {  	s9 =	sor.u32 $0xD0000000, s2;
	s6 =	simm.s32 $0x108;
	_ =	swait.ge @!p0 [sflag:s8], $0x0  }
0x24: {  	s3 =	sadd.s32 $0x88, s3;
	s6 =	simm.s32 @!p1 $0x1082;
	[sflag:s4] =	ssyncset.s32 $0xFFFFF086  }
0x25: {  	[simem:s6], [sflag:s4] =	dma.local [hbm:s3], $0xF7A  }
0x26: {  	[smem:$0x3F9F] =	sst s1;
	(tag) =	ssettag s2;
	_ =	strace s9  }
0x27: {  	s1 =	sld [smem:$0x3FAF]  }
0x28: {  	s2 =	sld [smem:$0x3FB0]  }
0x29: {  	s4 =	sld [smem:$0x3FB2]  }
0x2a: {  	p0 =	seq.s32 s5, $0x0;
	s5 =	sld [smem:$0x3FB3]  }
0x2b: {  	s6 =	sld [smem:$0x3FB4]  }
0x2c: {  	s7 =	sld [smem:$0x3FB5]  }
0x2d: {  	s3 =	simm.s32 $0x108;
	s8 =	sld [smem:$0x3FB6]  }
0x2e: {  	s3 =	simm.s32 @!p0 $0x1082;
	s9 =	sld [smem:$0x3FB7]  }
0x2f: {  	lr =	sadd.s32 s0, s3;
	s0 =	sld [smem:$0x3FAE]  }
0x30: {  	s3 =	sld [smem:$0x3FB1]  }
0x31: {  	[smem:$0x3FBA] =	sst s10  }
0x32: {  	s10 =	sld [smem:$0x3FB8];
	_ =	sdelay $0x3  }
0x33: {  	p0 =	seq.s32 s10, $0x1;
	s10 =	sld [smem:$0x3FBA];
	_ =	sdelay $0x3  }
0x34: {  	[smem:$0x3FBA] =	sst s10  }
0x35: {  	s10 =	sld [smem:$0x3FB9];
	_ =	sdelay $0x3  }
0x36: {  	p1 =	seq.s32 s10, $0x1;
	s10 =	sld [smem:$0x3FBA];
	_ =	sdelay $0x3  }
0x37: {  	[smem:$0x3FBA] =	sst s10  }
0x38: {  	s10 =	sld [smem:$0x3FBB]  }
0x39: {  	_ = 	snop;
	(pc) =	sbr.ind lr, $3  }
0x3a: {  	_ = 	snop  }
0x3b: {  	_ = 	snop  }
0x3c: {  	p2 =	seq.s32 s10, $0x1;
	s10 =	sld [smem:$0x3FBA]  }
0x3d: {  	_ =	shalt  }
0x3e: {  	_ =	shalt  }
0x3f: {  	_ =	shalt  }
0x40: {  	_ =	shalt  }
0x41: {  	_ =	shalt  }
0x42: {  	_ =	shalt  }
0x43: {  	_ =	shalt  }
0x44: {  	_ =	shalt  }
0x45: {  	_ =	shalt  }
0x46: {  	_ =	shalt  }
0x47: {  	_ =	shalt  }
0x48: {  	_ =	shalt  }
0x49: {  	_ =	shalt  }
0x4a: {  	_ =	shalt  }
0x4b: {  	_ =	shalt  }
0x4c: {  	_ =	shalt  }
0x4d: {  	_ =	shalt  }
0x4e: {  	_ =	shalt  }
0x4f: {  	_ =	shalt  }
0x50: {  	_ =	shalt  }
0x51: {  	_ =	shalt  }
0x52: {  	_ =	shalt  }
0x53: {  	_ =	shalt  }
0x54: {  	_ =	shalt  }
0x55: {  	_ =	shalt  }
0x56: {  	_ =	shalt  }
0x57: {  	_ =	shalt  }
0x58: {  	_ =	shalt  }
0x59: {  	_ =	shalt  }
0x5a: {  	_ =	shalt  }
0x5b: {  	_ =	shalt  }
0x5c: {  	_ =	shalt  }
0x5d: {  	_ =	shalt  }
0x5e: {  	_ =	shalt  }
0x5f: {  	_ =	shalt  }
0x60: {  	_ =	shalt  }
0x61: {  	_ =	shalt  }
0x62: {  	_ =	shalt  }
0x63: {  	_ =	shalt  }
0x64: {  	_ =	shalt  }
0x65: {  	_ =	shalt  }
0x66: {  	_ =	shalt  }
0x67: {  	_ =	shalt  }
0x68: {  	_ =	shalt  }
0x69: {  	_ =	shalt  }
0x6a: {  	_ =	shalt  }
0x6b: {  	_ =	shalt  }
0x6c: {  	_ =	shalt  }
0x6d: {  	_ =	shalt  }
0x6e: {  	_ =	shalt  }
0x6f: {  	_ =	shalt  }
0x70: {  	_ =	shalt  }
0x71: {  	_ =	shalt  }
0x72: {  	_ =	shalt  }
0x73: {  	_ =	shalt  }
0x74: {  	_ =	shalt  }
0x75: {  	_ =	shalt  }
0x76: {  	_ =	shalt  }
0x77: {  	_ =	shalt  }
0x78: {  	_ =	shalt  }
0x79: {  	_ =	shalt  }
0x7a: {  	_ =	shalt  }
0x7b: {  	_ =	shalt  }
0x7c: {  	_ =	shalt  }
0x7d: {  	_ =	shalt  }
0x7e: {  	_ =	shalt  }
0x7f: {  	_ =	shalt  }
0x80: {  	_ =	shalt  }
0x81: {  	_ =	shalt  }
0x82: {  	_ =	shalt  }
0x83: {  	_ =	shalt  }
0x84: {  	_ =	shalt  }
0x85: {  	_ =	shalt  }
0x86: {  	_ =	shalt  }
0x87: {  	_ =	shalt  }
.Lfunc_end0:
.L_simem_size_0:
called_computation_lowered:
.L_overlay_start_0:
0x88: {  	s2 =	sld [smem:$0x3FD9]  }
0x89: {  	s3 =	sld [smem:$0x3FFE];
	_ =	sdelay $0x1  }
0x8a: {  	s1 =	srdreg.scid  }
0x8b: {  	s0 =	sand.u32 $0x1, s1  }
0x8c: {  	s14 =	sshll.u32 s0, $0xA;
	s2 =	sadd.s32 s3, s2  }
0x8d: {  	s2 =	sadd.s32 s2, s14  }
0x8e: {  	[smem:$0x3FC6] =	sst s2  }
0x8f: {  	_ = 	snop  }
0x90: {  	s2 =	sld [smem:$0x3FD0];
	_ =	sdelay $0x2  }
0x91: {  	s4 =	simm.s32 $0xA;
	s5 =	simm.s32 $0x10;
	s15 =	sld [smem:$0x3FC9]  }
0x92: {  	[smem:s5], [sflag:s4] =	dma.local [hbm:s2], $0x1  }
0x93: {  	_ =	swait.eq [sflag:s4], $0x1  }
0x94: {  	[sflag:s4] =	ssyncset.done $0x0  }
0x95: {  	s16 =	sld [smem:$0x10];
	[sflag:s4] =	ssyncadd.s32 $0xFFFFFFFF  }
0x96: {  	s17 =	sld [smem:$0x11];
	(tm) =	ssettm $0x1  }
0x97: {  	s18 =	sld [smem:$0x3FFB];
	_ =	sdelay $0x3  }
0x98: {  	_ =	strace s18  }
0x99: {  	s5 =	sld [smem:$0x3FFC];
	_ =	sdelay $0x3  }
0x9a: {  	_ =	strace s5  }
0x9b: {  	s5 =	sld [smem:$0x3FFD];
	_ =	sdelay $0x3  }
0x9c: {  	_ =	strace s5  }
0x9d: {  	_ =	strace $0x8FFFFFFF  }
0x9e: {  	s19 =	sld [smem:$0x3FDB];
	_ =	sdelay $0x1  }
0x9f: {  	s6 =	simm.s32 $_scs_section_size  }
0xa0: {  	s7 =	simm.s32 $_size__tile_overlayer_lowered;
	s8 =	simm.s32 $_tile_overlayer_lowered  }
0xa1: {  	s22 =	simm.s32 $0x1BFF;
	s21 =	sshll.u32 s8, $0x1;
	s5 =	sadd.s32 s6, s19  }
0xa2: {  	s9 =	simm.s32 $0x0;
	s20 =	sshll.u32 s7, $0x1;
	s7 =	sadd.s32 s21, s5  }
0xa3: {  	[timem:s9], [sflag:s22] =	dma.local [hbm:s7], s20  }
0xa4: {  	_ =	swait.ge [sflag:s22], s20  }
0xa5: {  	s6 =	ssub.s32 $0x0, s20;
	[sflag:s22] =	ssyncset.done $0x0  }
0xa6: {  	[sflag:s22] =	ssyncadd.s32 s6;
	_ =	sdelay $0x1  }
0xa7: {  	s23 =	simm.s32 $0x1B8B  }
0xa8: {  	_ =	swait.ge [sflag:s23], $0x1  }
0xa9: {  	[sflag:s23] =	ssyncset.done $0x0  }
0xaa: {  	s25 =	simm.s32 $0x1B8E;
	s24 =	sld [smem:$0x3FFE];
	[sflag:s23] =	ssyncadd.s32 $0xFFFFFFFF  }
0xab: {  	s26 =	simm.s32 $execute0_lowered;
	[smem:$0x3FD2] =	sst s25  }
0xac: {  	s7 =	sshll.u32 s26, $0x1;
	_ =	strace $0x80000046;
	[dreg:$0x1] =	wrdreg $0xFFFFFFFF  }
0xad: {  	s28 =	simm.s32 $_size_execute0_lowered;
	s5 =	sadd.s32 s5, s7;
	[dreg:$0x0] =	wrdreg $0x0  }
0xae: {  	s7 =	sshll.u32 s28, $0x1;
	[dreg:$0x2] =	wrdreg s5  }
0xaf: {  	[dreg:$0x3] =	wrdreg s7  }
0xb0: {  	[dreg:$0x4] =	wrdreg $0xC0  }
0xb1: {  	_ =	task [dreg:s9], $0x5FFFF  }
0xb2: {  	[dreg:$0x1] =	wrdreg $0xFFFFFFFF  }
0xb3: {  	[dreg:$0x0] =	wrdreg $0x60  }
0xb4: {  	[dreg:$0x2] =	wrdreg s15  }
0xb5: {  	[dreg:$0x3] =	wrdreg s16  }
0xb6: {  	[dreg:$0x4] =	wrdreg s17  }
0xb7: {  	[dreg:$0x5] =	wrdreg s24  }
0xb8: {  	[dreg:$0x6] =	wrdreg $0xBB000  }
0xb9: {  	[dreg:$0x7] =	wrdreg $0x1FB000  }
0xba: {  	[dreg:$0x8] =	wrdreg $0x9  }
0xbb: {  	_ =	task.clear_ibuf [dreg:s9], $0x9FFFF;
	_ =	strace $0x90000046  }
0xbc: {  	s29 =	simm.s32 $0x9;
	_ =	strace $0x80000048  }
0xbd: {  	_ =	swait.ge [sflag:s29], $0x1  }
0xbe: {  	[sflag:s29] =	ssyncadd.s32 $0xFFFFFFFF  }
0xbf: {  	_ =	strace $0x90000048  }
0xc0: {  	_ =	sfence  }
0xc1: {  	s30 =	sld [smem:$0x0];
	_ =	sdelay $0x2  }
0xc2: {  	s31 =	sshll.u32 s1, $0xD;
	s1 =	sshrl.u32 s1, $0x2  }
0xc3: {  	s3 =	sand.u32 $0x4000, s31;
	s1 =	sadd.s32 s1, s30  }
0xc4: {  	s0 =	sor.u32 s3, s0;
	s1 =	sshll.u32 s1, $0x11  }
0xc5: {  	s0 =	sor.u32 s1, s0  }
0xc6: {  	s0 =	sadd.s32 $0x8F2B, s0  }
0xc7: {  	[sflag:s0] =	ssyncadd.remote.s32 $0x1  }
0xc8: {  	_ =	sfence.sel $0xFFFF  }
0xc9: {  	[dreg:$0x0] =	wrdreg $0xFFFFFFFF;
	(pc) =	sbr.abs _section_cstart, $3  }
0xca: {  	[dreg:$0x1] =	wrdreg $0xFFFFFFFF  }
0xcb: {  	_ =	task.clear_ibuf [dreg:s9], $0x2FFFF;
	_ =	strace $0x9FFFFFFF  }
0xcc: {  	(tm) =	ssettm $0x7FFFFFFF  }
0xcd: {  	_ =	shalt  }
tec
execute0_lowered:
.L_overlay_start_1:
0x0: {  	(tag) =	ssettag $0x1  }
0x1: {  	s0 =	srdreg.scid;
	s18 =	stileid.u32  }
0x2: {  	s5 =	rddreg [dreg:$0x1];
	s1 =	simm.s32 $0x0;
	s29 =	simm.s32 $0x4  }
0x3: {  	s30 =	simm.s32 $0x5;
	s4 =	sand.u32 $0x1, s0;
	s0 =	rddreg [dreg:$0x3]  }
0x4: {  	s3 =	sshrl.u32 s18, $0x3;
	[smem:$0x7FF] =	sst s1;
	s13 =	smul.u32 $0x14000, s18  }
0x5: {  	s6 =	sshll.u32 s18, $0x7;
	s9 =	sshll.u32 s18, $0x1;
	s2 =	smul.u32 $0x2800, s4  }
0x6: {  	s3 =	smul.u32 $0x1400, s3;
	s7 =	sadd.s32 $0x1800, s0;
	s9 =	sor.u32 s4, s9  }
0x7: {  	s6 =	sand.u32 $0x380, s6;
	s8 =	ssub.s32 $0x2, s4;
	s14 =	smul.u32 $0x27100, s9  }
0x8: {  	s17 =	sshrl.u32 s8, $0x1;
	s19 =	sshll.u32 s9, $0xB;
	s9 =	smul.u32 $0x138800, s9  }
0x9: {  	s3 =	sadd.s32 s2, s3;
	s2 =	smul.u32 $0x280, s18;
	s5 =	sadd.s32 s5, s19  }
0xa: {  	s6 =	sor.u32 s6, s3;
	s3 =	ssub.s32 s8, s17;
	s8 =	smul.u32 $0x140000, s4  }
0xb: {  	[dreg:$0x7] =	wrdreg s5;
	s4 =	smul.u32 $0x27100, s4;
	s10 =	sshll.u32 s2, $0x7  }
0xc: {  	s6 =	sshrl.u32 s6, $0x3;
	s5 =	sor.u32 $0x2800, s10;
	s11 =	sadd.s32 $0x5000, s10  }
0xd: {  	s12 =	sadd.s32 $0x7800, s10;
	s16 =	sadd.s32 $0xA000, s10;
	s17 =	sadd.s32 $0xC800, s10  }
0xe: {  	s24 =	sadd.s32 $0xF000, s10;
	s10 =	sadd.s32 $0x11800, s10;
	s13 =	sadd.s32 s13, s8  }
0xf: {  	s6 =	sadd.s32 s6, s0;
	s13 =	sshrl.u32 s13, $0x3;
	s15 =	sadd.s32 s8, s5  }
0x10: {  	s21 =	sadd.s32 s8, s11;
	s23 =	sadd.s32 s8, s12;
	s26 =	sadd.s32 s8, s16  }
0x11: {  	s31 =	sadd.s32 s8, s17;
	s19 =	sadd.s32 s8, s24;
	s8 =	sadd.s32 s8, s10  }
0x12: {  	s13 =	sadd.s32 s7, s13;
	s20 =	sshrl.u32 s15, $0x3;
	s22 =	sshrl.u32 s21, $0x3  }
0x13: {  	s25 =	sshrl.u32 s23, $0x3;
	s28 =	sshrl.u32 s26, $0x3;
	s15 =	sshrl.u32 s31, $0x3  }
0x14: {  	s8 =	sshrl.u32 s8, $0x3;
	s21 =	rddreg [dreg:$0x0];
	s23 =	smul.u32 $0x4E200, s18  }
0x15: {  	s31 =	sadd.s32 $0xA00, s0;
	[dreg:$0x8] =	wrdreg s13;
	s13 =	sadd.s32 s7, s20  }
0x16: {  	s0 =	sadd.s32 $0xC00, s0;
	[dreg:$0x9] =	wrdreg s13;
	s13 =	sadd.s32 s7, s22  }
0x17: {  	s20 =	sshrl.u32 s19, $0x3;
	[dreg:$0xa] =	wrdreg s13;
	s13 =	sadd.s32 s7, s25  }
0x18: {  	s22 =	sshrl.u32 s9, $0x3;
	s25 =	smul.u32 $0x50000, s18;
	[dreg:$0xb] =	wrdreg s13  }
0x19: {  	s13 =	sadd.s32 s7, s28;
	s28 =	sadd.s32 s21, s14;
	s14 =	rddreg [dreg:$0x4]  }
0x1a: {  	s9 =	simm.s32 $0x1;
	[dreg:$0xc] =	wrdreg s13;
	s13 =	sadd.s32 s7, s15  }
0x1b: {  	s15 =	rddreg [dreg:$0x5];
	s26 =	sshrl.u32 s25, $0x2;
	s19 =	sadd.s32 s5, s14  }
0x1c: {  	s24 =	sadd.s32 s24, s14;
	s25 =	sadd.s32 s10, s14;
	s5 =	simm.s32 $0xB880  }
0x1d: {  	s10 =	simm.s32 $0x6800;
	[dreg:$0xd] =	wrdreg s13;
	s13 =	sadd.s32 s7, s20  }
0x1e: {  	s7 =	sadd.s32 s7, s8;
	s8 =	sadd.s32 s23, s21;
	s18 =	sadd.s32 s26, s14  }
0x1f: {  	s20 =	sadd.s32 s11, s14;
	s23 =	sadd.s32 s17, s14;
	[dreg:$0xe] =	wrdreg s13  }
0x20: {  	s26 =	sadd.s32 s2, s15;
	s17 =	sadd.s32 $0xA00, s28;
	[dreg:$0xf] =	wrdreg s7  }
0x21: {  	s7 =	sadd.s32 s21, s22;
	_ =	strace $0x80000047;
	[dreg:$0x11] =	wrdreg s31  }
0x22: {  	s21 =	sadd.s32 s12, s14;
	s12 =	sadd.s32 $0xE00, s6;
	[dreg:$0x12] =	wrdreg s0  }
0x23: {  	s2 =	simm.s32 $0xB800;
	s13 =	smax.u32 s3, $0x1;
	[dreg:$0x14] =	wrdreg s12  }
0x24: {  	s22 =	sadd.s32 s16, s14;
	s16 =	sadd.s32 $0x500, s28;
	[dreg:$0x15] =	wrdreg s13  }
0x25: {  	s4 =	sadd.s32 s4, s8;
	s3 =	simm.s32 $0x4000;
	[dreg:$0x16] =	wrdreg s16  }
0x26: {  	s6 =	simm.s32 $0x6;
	s8 =	simm.s32 $0x3;
	[dreg:$0x17] =	wrdreg s17  }
0x27: {  	s11 =	sadd.s32 $0x26C00, s7;
	s0 =	sadd.s32 $0x1400, s4;
	[dreg:$0x10] =	wrdreg s28  }
0x28: {  	s31 =	sadd.s32 $0xF00, s28;
	s4 =	simm.s32 $0x7;
	s7 =	simm.s32 $0x2  }
0x29: {  	s16 =	simm.s32 $0x50;
	s17 =	simm.s32 $0x9000;
	[dreg:$0x13] =	wrdreg s11  }
0x2a: {  	s13 =	simm.s32 $0x80;
	[dreg:$0x18] =	wrdreg s31;
	s11 =	simm.s32 $0x0  }
.LBB2_1:
0x2b: {  	s12 =	rddreg [dreg:$0x7]  }
0x2c: {  	[tilespmem:s1], [sflag:$0x2] =	stream.linear.gather [hbm4b:s12+s1], $0x3E80, $0x38;
	[tilespmem:$0x1FD80] =	vst v63  }
0x2d: {  	s28 =	rddreg [dreg:$0x12]  }
0x2e: {  	[tilespmem:s2], [sflag:$0x3] =	stream.linear.gather [hbm4b:s28+s1], $0x80, $0x38;
	[tilespmem:$0x1FD80] =	vst v63  }
0x2f: {  	s28 =	rddreg [dreg:$0x2]  }
0x30: {  	[tilespmem:s3], [sflag:$0x7] =	stream.linear.gather [hbm4b:s28+s1], $0x2800, $0x38;
	[tilespmem:$0x1FD80] =	vst v63  }
0x31: {  	_ =	swait.ge [sflag:s4], $0x2800  }
0x32: {  	[sflag:s4] =	ssyncset.done $0x0  }
0x33: {  	[sflag:s4] =	ssyncadd.s32 $0xFFFFD800  }
0x34: {  	[spmem:s18] =	stream.linear.scatter [tilespmem:s3], [sflag:$0x6], $0x2800, $0x38;
	[tilespmem:$0x1FD80] =	vst v63  }
0x35: {  	_ = 	snop  }
0x36: {  	[spmem:s19] =	stream.linear.scatter [tilespmem:s3], [sflag:$0x6], $0x2800, $0x38;
	[tilespmem:$0x1FD80] =	vst v63  }
0x37: {  	_ = 	snop  }
0x38: {  	[spmem:s20] =	stream.linear.scatter [tilespmem:s3], [sflag:$0x6], $0x2800, $0x38;
	[tilespmem:$0x1FD80] =	vst v63  }
0x39: {  	_ = 	snop  }
0x3a: {  	[spmem:s21] =	stream.linear.scatter [tilespmem:s3], [sflag:$0x6], $0x2800, $0x38;
	[tilespmem:$0x1FD80] =	vst v63  }
0x3b: {  	_ = 	snop  }
0x3c: {  	[spmem:s22] =	stream.linear.scatter [tilespmem:s3], [sflag:$0x6], $0x2800, $0x38;
	[tilespmem:$0x1FD80] =	vst v63  }
0x3d: {  	_ = 	snop  }
0x3e: {  	[spmem:s23] =	stream.linear.scatter [tilespmem:s3], [sflag:$0x6], $0x2800, $0x38;
	[tilespmem:$0x1FD80] =	vst v63  }
0x3f: {  	_ = 	snop  }
0x40: {  	[spmem:s24] =	stream.linear.scatter [tilespmem:s3], [sflag:$0x6], $0x2800, $0x38;
	[tilespmem:$0x1FD80] =	vst v63  }
0x41: {  	_ = 	snop  }
0x42: {  	[spmem:s25] =	stream.linear.scatter [tilespmem:s3], [sflag:$0x6], $0x2800, $0x38;
	[tilespmem:$0x1FD80] =	vst v63  }
0x43: {  	s28 =	rddreg [dreg:$0x11]  }
0x44: {  	[tilespmem:s5], [sflag:$0x7] =	stream.linear.gather [hbm4b:s28+s1], $0x280, $0x38;
	[tilespmem:$0x1FD80] =	vst v63  }
0x45: {  	_ =	swait.ge [sflag:s4], $0x280  }
0x46: {  	[sflag:s4] =	ssyncset.done $0x0  }
0x47: {  	[sflag:s4] =	ssyncadd.s32 $0xFFFFFD80  }
0x48: {  	[spmem:s26] =	stream.linear.scatter [tilespmem:s5], [sflag:$0x7], $0x280, $0x38;
	[tilespmem:$0x1FD80] =	vst v63  }
0x49: {  	_ =	swait.ge [sflag:s4], $0x280  }
0x4a: {  	[sflag:s4] =	ssyncset.done $0x0  }
0x4b: {  	[sflag:s4] =	ssyncadd.s32 $0xFFFFFD80  }
0x4c: {  	_ =	swait.ge [sflag:s6], $0x2800  }
0x4d: {  	[sflag:s6] =	ssyncset.done $0x0  }
0x4e: {  	[sflag:s6] =	ssyncadd.s32 $0xFFFFD800  }
0x4f: {  	_ =	swait.ge [sflag:s6], $0x2800  }
0x50: {  	[sflag:s6] =	ssyncset.done $0x0  }
0x51: {  	[sflag:s6] =	ssyncadd.s32 $0xFFFFD800  }
0x52: {  	_ =	swait.ge [sflag:s6], $0x2800  }
0x53: {  	[sflag:s6] =	ssyncset.done $0x0  }
0x54: {  	[sflag:s6] =	ssyncadd.s32 $0xFFFFD800  }
0x55: {  	_ =	swait.ge [sflag:s6], $0x2800  }
0x56: {  	[sflag:s6] =	ssyncset.done $0x0  }
0x57: {  	[sflag:s6] =	ssyncadd.s32 $0xFFFFD800  }
0x58: {  	_ =	swait.ge [sflag:s6], $0x2800  }
0x59: {  	[sflag:s6] =	ssyncset.done $0x0  }
0x5a: {  	[sflag:s6] =	ssyncadd.s32 $0xFFFFD800  }
0x5b: {  	_ =	swait.ge [sflag:s6], $0x2800  }
0x5c: {  	[sflag:s6] =	ssyncset.done $0x0  }
0x5d: {  	[sflag:s6] =	ssyncadd.s32 $0xFFFFD800  }
0x5e: {  	_ =	swait.ge [sflag:s6], $0x2800  }
0x5f: {  	[sflag:s6] =	ssyncset.done $0x0  }
0x60: {  	[sflag:s6] =	ssyncadd.s32 $0xFFFFD800  }
0x61: {  	_ =	swait.ge [sflag:s6], $0x2800  }
0x62: {  	[sflag:s6] =	ssyncset.done $0x0  }
0x63: {  	[sflag:s6] =	ssyncadd.s32 $0xFFFFD800  }
0x64: {  	_ =	swait.ge [sflag:s7], $0x3E80  }
0x65: {  	[sflag:s7] =	ssyncset.done $0x0  }
0x66: {  	[sflag:s7] =	ssyncadd.s32 $0xFFFFC180  }
0x67: {  	_ =	swait.ge [sflag:s8], $0x80  }
0x68: {  	[sflag:s8] =	ssyncset.done $0x0  }
0x69: {  	[sflag:s8] =	ssyncadd.s32 $0xFFFFFF80  }
0x6a: {  	[bflag:$0x0] =	sbarrier.arrive $0xFFFF  }
0x6b: {  	s28 =	rddreg [dreg:$0x10]  }
0x6c: {  	[tilespmem:s3], [sflag:$0x1] =	stream.linear.gather [hbm4b:s28+s1], $0x2800, $0x38;
	[tilespmem:$0x1FD80] =	vst v63  }
0x6d: {  	_ =	swait.ge [sflag:s9], $0x2800  }
0x6e: {  	[sflag:s9] =	ssyncset.done $0x0  }
0x6f: {  	s28 =	rddreg [dreg:$0x16];
	[sflag:s9] =	ssyncadd.s32 $0xFFFFD800  }
0x70: {  	[tilespmem:s10], [sflag:$0x2] =	stream.linear.gather [hbm4b:s28+s1], $0x2800, $0x38;
	[tilespmem:$0x1FD80] =	vst v63  }
0x71: {  	_ = 	snop  }
0x72: {  	[spmem:s14] =	stream.indirect.scatter.add.f32 [tilespmem:s3], [sflag:$0x4], $0x80, s1, s16, $0xb8;
	[tilespmem:$0x1FD80] =	vst v63  }
0x73: {  	_ = 	snop  }
0x74: {  	[spmem:s15] =	stream.indirect.scatter.add.f32 [tilespmem:s2], [sflag:$0x5], $0x1, s1, s16, $0xb8;
	[tilespmem:$0x1FD80] =	vst v63  }
0x75: {  	_ =	swait.ge [sflag:s7], $0x2800  }
0x76: {  	[sflag:s7] =	ssyncset.done $0x0  }
0x77: {  	s28 =	rddreg [dreg:$0x17];
	[sflag:s7] =	ssyncadd.s32 $0xFFFFD800  }
0x78: {  	[tilespmem:s17], [sflag:$0x3] =	stream.linear.gather [hbm4b:s28+s1], $0x2800, $0x38;
	[tilespmem:$0x1FD80] =	vst v63  }
0x79: {  	_ = 	snop  }
0x7a: {  	[spmem:s14] =	stream.indirect.scatter.add.f32 [tilespmem:s10], [sflag:$0x4], $0x80, s13, s16, $0xb8;
	[tilespmem:$0x1FD80] =	vst v63  }
0x7b: {  	_ = 	snop  }
0x7c: {  	[spmem:s15] =	stream.indirect.scatter.add.f32 [tilespmem:s2], [sflag:$0x5], $0x1, s13, s16, $0xb8;
	[tilespmem:$0x1FD80] =	vst v63  }
0x7d: {  	_ =	swait.ge [sflag:s29], $0x2800  }
0x7e: {  	[sflag:s29] =	ssyncset.done $0x0  }
0x7f: {  	[sflag:s29] =	ssyncadd.s32 $0xFFFFD800  }
0x80: {  	_ =	swait.ge [sflag:s30], $0x50  }
0x81: {  	[sflag:s30] =	ssyncset.done $0x0  }
0x82: {  	[sflag:s30] =	ssyncadd.s32 $0xFFFFFFB0  }
0x83: {  	_ =	swait.ge [sflag:s8], $0x2800  }
0x84: {  	[sflag:s8] =	ssyncset.done $0x0  }
0x85: {  	s28 =	rddreg [dreg:$0x18];
	[sflag:s8] =	ssyncadd.s32 $0xFFFFD800  }
0x86: {  	[tilespmem:s3], [sflag:$0x1] =	stream.linear.gather [hbm4b:s28+s1], $0x2800, $0x38;
	[tilespmem:$0x1FD80] =	vst v63  }
0x87: {  	s13 =	simm.s32 $0x100  }
0x88: {  	[spmem:s14] =	stream.indirect.scatter.add.f32 [tilespmem:s17], [sflag:$0x4], $0x80, s13, s16, $0xb8;
	[tilespmem:$0x1FD80] =	vst v63  }
0x89: {  	_ = 	snop  }
0x8a: {  	[spmem:s15] =	stream.indirect.scatter.add.f32 [tilespmem:s2], [sflag:$0x5], $0x1, s13, s16, $0xb8;
	[tilespmem:$0x1FD80] =	vst v63  }
0x8b: {  	_ =	swait.ge [sflag:s29], $0x2800  }
0x8c: {  	[sflag:s29] =	ssyncset.done $0x0  }
0x8d: {  	[sflag:s29] =	ssyncadd.s32 $0xFFFFD800  }
0x8e: {  	_ =	swait.ge [sflag:s30], $0x50  }
0x8f: {  	[sflag:s30] =	ssyncset.done $0x0  }
0x90: {  	[sflag:s30] =	ssyncadd.s32 $0xFFFFFFB0  }
0x91: {  	_ =	swait.ge [sflag:s9], $0x2800  }
0x92: {  	[sflag:s9] =	ssyncset.done $0x0  }
0x93: {  	[sflag:s9] =	ssyncadd.s32 $0xFFFFD800  }
0x94: {  	[tilespmem:s10], [sflag:$0x2] =	stream.linear.gather [hbm4b:s0+s1], $0x2800, $0x38;
	[tilespmem:$0x1FD80] =	vst v63  }
0x95: {  	s28 =	simm.s32 $0x180  }
0x96: {  	[spmem:s14] =	stream.indirect.scatter.add.f32 [tilespmem:s3], [sflag:$0x4], $0x80, s28, s16, $0xb8;
	[tilespmem:$0x1FD80] =	vst v63  }
0x97: {  	_ = 	snop  }
0x98: {  	[spmem:s15] =	stream.indirect.scatter.add.f32 [tilespmem:s2], [sflag:$0x5], $0x1, s28, s16, $0xb8;
	[tilespmem:$0x1FD80] =	vst v63  }
0x99: {  	_ =	swait.ge [sflag:s29], $0x2800  }
0x9a: {  	[sflag:s29] =	ssyncset.done $0x0  }
0x9b: {  	[sflag:s29] =	ssyncadd.s32 $0xFFFFD800  }
0x9c: {  	_ =	swait.ge [sflag:s30], $0x50  }
0x9d: {  	[sflag:s30] =	ssyncset.done $0x0  }
0x9e: {  	[sflag:s30] =	ssyncadd.s32 $0xFFFFFFB0  }
0x9f: {  	_ =	swait.ge [sflag:s7], $0x2800  }
0xa0: {  	[sflag:s7] =	ssyncset.done $0x0  }
0xa1: {  	s12 =	sadd.s32 $0x500, s0;
	[sflag:s7] =	ssyncadd.s32 $0xFFFFD800  }
0xa2: {  	[tilespmem:s17], [sflag:$0x3] =	stream.linear.gather [hbm4b:s12+s1], $0x2800, $0x38;
	[tilespmem:$0x1FD80] =	vst v63  }
0xa3: {  	s28 =	simm.s32 $0x200  }
0xa4: {  	[spmem:s14] =	stream.indirect.scatter.add.f32 [tilespmem:s10], [sflag:$0x4], $0x80, s28, s16, $0xb8;
	[tilespmem:$0x1FD80] =	vst v63  }
0xa5: {  	_ = 	snop  }
0xa6: {  	[spmem:s15] =	stream.indirect.scatter.add.f32 [tilespmem:s2], [sflag:$0x5], $0x1, s28, s16, $0xb8;
	[tilespmem:$0x1FD80] =	vst v63  }
0xa7: {  	_ =	swait.ge [sflag:s29], $0x2800  }
0xa8: {  	[sflag:s29] =	ssyncset.done $0x0  }
0xa9: {  	[sflag:s29] =	ssyncadd.s32 $0xFFFFD800  }
0xaa: {  	_ =	swait.ge [sflag:s30], $0x50  }
0xab: {  	[sflag:s30] =	ssyncset.done $0x0  }
0xac: {  	[sflag:s30] =	ssyncadd.s32 $0xFFFFFFB0  }
0xad: {  	_ =	swait.ge [sflag:s8], $0x2800  }
0xae: {  	[sflag:s8] =	ssyncset.done $0x0  }
0xaf: {  	s12 =	sadd.s32 $0xA00, s0;
	[sflag:s8] =	ssyncadd.s32 $0xFFFFD800  }
0xb0: {  	[tilespmem:s3], [sflag:$0x1] =	stream.linear.gather [hbm4b:s12+s1], $0x2800, $0x38;
	[tilespmem:$0x1FD80] =	vst v63  }
0xb1: {  	s28 =	simm.s32 $0x280  }
0xb2: {  	[spmem:s14] =	stream.indirect.scatter.add.f32 [tilespmem:s17], [sflag:$0x4], $0x80, s28, s16, $0xb8;
	[tilespmem:$0x1FD80] =	vst v63  }
0xb3: {  	_ = 	snop  }
0xb4: {  	[spmem:s15] =	stream.indirect.scatter.add.f32 [tilespmem:s2], [sflag:$0x5], $0x1, s28, s16, $0xb8;
	[tilespmem:$0x1FD80] =	vst v63  }
0xb5: {  	_ =	swait.ge [sflag:s29], $0x2800  }
0xb6: {  	[sflag:s29] =	ssyncset.done $0x0  }
0xb7: {  	[sflag:s29] =	ssyncadd.s32 $0xFFFFD800  }
0xb8: {  	_ =	swait.ge [sflag:s30], $0x50  }
0xb9: {  	s31 =	smov.u32 s0;
	s13 =	simm.s32 $0x600;
	[sflag:s30] =	ssyncset.done $0x0  }
.LBB2_2:
0xba: {  	p0 =	sne.s32 s13, $0xEA00;
	[sflag:s30] =	ssyncadd.s32 $0xFFFFFFB0;
	s31 =	sadd.s32 $0xF00, s31  }
0xbb: {  	s12 =	smov.u32 s13;
	s13 =	sadd.s32 $0x600, s13;
	_ =	swait.ge [sflag:s9], $0x2800  }
0xbc: {  	[sflag:s9] =	ssyncset.done $0x0  }
0xbd: {  	s12 =	sshra.s32 s12, $0x2;
	[sflag:s9] =	ssyncadd.s32 $0xFFFFD800  }
0xbe: {  	[tilespmem:s10], [sflag:$0x2] =	stream.linear.gather [hbm4b:s31+s1], $0x2800, $0x38;
	[tilespmem:$0x1FD80] =	vst v63  }
0xbf: {  	s28 =	sadd.s32 $0x180, s12  }
0xc0: {  	[spmem:s14] =	stream.indirect.scatter.add.f32 [tilespmem:s3], [sflag:$0x4], $0x80, s28, s16, $0xb8;
	[tilespmem:$0x1FD80] =	vst v63  }
0xc1: {  	_ = 	snop  }
0xc2: {  	[spmem:s15] =	stream.indirect.scatter.add.f32 [tilespmem:s2], [sflag:$0x5], $0x1, s28, s16, $0xb8;
	[tilespmem:$0x1FD80] =	vst v63  }
0xc3: {  	_ =	swait.ge [sflag:s29], $0x2800  }
0xc4: {  	[sflag:s29] =	ssyncset.done $0x0  }
0xc5: {  	[sflag:s29] =	ssyncadd.s32 $0xFFFFD800  }
0xc6: {  	_ =	swait.ge [sflag:s30], $0x50  }
0xc7: {  	[sflag:s30] =	ssyncset.done $0x0  }
0xc8: {  	[sflag:s30] =	ssyncadd.s32 $0xFFFFFFB0  }
0xc9: {  	_ =	swait.ge [sflag:s7], $0x2800  }
0xca: {  	[sflag:s7] =	ssyncset.done $0x0  }
0xcb: {  	s28 =	sadd.s32 $0x500, s31;
	[sflag:s7] =	ssyncadd.s32 $0xFFFFD800  }
0xcc: {  	[tilespmem:s17], [sflag:$0x3] =	stream.linear.gather [hbm4b:s28+s1], $0x2800, $0x38;
	[tilespmem:$0x1FD80] =	vst v63  }
0xcd: {  	s28 =	sadd.s32 $0x200, s12  }
0xce: {  	[spmem:s14] =	stream.indirect.scatter.add.f32 [tilespmem:s10], [sflag:$0x4], $0x80, s28, s16, $0xb8;
	[tilespmem:$0x1FD80] =	vst v63  }
0xcf: {  	_ = 	snop  }
0xd0: {  	[spmem:s15] =	stream.indirect.scatter.add.f32 [tilespmem:s2], [sflag:$0x5], $0x1, s28, s16, $0xb8;
	[tilespmem:$0x1FD80] =	vst v63  }
0xd1: {  	_ =	swait.ge [sflag:s29], $0x2800  }
0xd2: {  	[sflag:s29] =	ssyncset.done $0x0  }
0xd3: {  	[sflag:s29] =	ssyncadd.s32 $0xFFFFD800  }
0xd4: {  	_ =	swait.ge [sflag:s30], $0x50  }
0xd5: {  	[sflag:s30] =	ssyncset.done $0x0  }
0xd6: {  	[sflag:s30] =	ssyncadd.s32 $0xFFFFFFB0  }
0xd7: {  	_ =	swait.ge [sflag:s8], $0x2800  }
0xd8: {  	[sflag:s8] =	ssyncset.done $0x0  }
0xd9: {  	s28 =	sadd.s32 $0xA00, s31;
	[sflag:s8] =	ssyncadd.s32 $0xFFFFD800  }
0xda: {  	[tilespmem:s3], [sflag:$0x1] =	stream.linear.gather [hbm4b:s28+s1], $0x2800, $0x38;
	[tilespmem:$0x1FD80] =	vst v63  }
0xdb: {  	s12 =	sadd.s32 $0x280, s12  }
0xdc: {  	[spmem:s14] =	stream.indirect.scatter.add.f32 [tilespmem:s17], [sflag:$0x4], $0x80, s12, s16, $0xb8;
	[tilespmem:$0x1FD80] =	vst v63  }
0xdd: {  	_ = 	snop  }
0xde: {  	[spmem:s15] =	stream.indirect.scatter.add.f32 [tilespmem:s2], [sflag:$0x5], $0x1, s12, s16, $0xb8;
	[tilespmem:$0x1FD80] =	vst v63  }
.Ltmp0:
0xdf: {  	_ =	swait.ge [sflag:s29], $0x2800;
	(pc) =	sbr.rel @p0 .LBB2_2-.Ltmp0, $4  }
0xe0: {  	[sflag:s29] =	ssyncset.done $0x0  }
0xe1: {  	[sflag:s29] =	ssyncadd.s32 $0xFFFFD800  }
0xe2: {  	_ =	swait.ge [sflag:s30], $0x50  }
0xe3: {  	[sflag:s30] =	ssyncset.done $0x0  }
0xe4: {  	[sflag:s30] =	ssyncadd.s32 $0xFFFFFFB0  }
0xe5: {  	_ =	swait.ge [sflag:s9], $0x2800  }
0xe6: {  	[sflag:s9] =	ssyncset.done $0x0  }
0xe7: {  	s12 =	rddreg [dreg:$0x13];
	[sflag:s9] =	ssyncadd.s32 $0xFFFFD800  }
0xe8: {  	[tilespmem:s10], [sflag:$0x2] =	stream.linear.gather [hbm4b:s12+s1], $0x2800, $0x38;
	[tilespmem:$0x1FD80] =	vst v63  }
0xe9: {  	s28 =	simm.s32 $0x3D80  }
0xea: {  	[spmem:s14] =	stream.indirect.scatter.add.f32 [tilespmem:s3], [sflag:$0x4], $0x80, s28, s16, $0xb8;
	[tilespmem:$0x1FD80] =	vst v63  }
0xeb: {  	_ = 	snop  }
0xec: {  	[spmem:s15] =	stream.indirect.scatter.add.f32 [tilespmem:s2], [sflag:$0x5], $0x1, s28, s16, $0xb8;
	[tilespmem:$0x1FD80] =	vst v63  }
0xed: {  	_ =	swait.ge [sflag:s29], $0x2800  }
0xee: {  	[sflag:s29] =	ssyncset.done $0x0  }
0xef: {  	[sflag:s29] =	ssyncadd.s32 $0xFFFFD800  }
0xf0: {  	_ =	swait.ge [sflag:s30], $0x50  }
0xf1: {  	[sflag:s30] =	ssyncset.done $0x0  }
0xf2: {  	[sflag:s30] =	ssyncadd.s32 $0xFFFFFFB0  }
0xf3: {  	_ =	swait.ge [sflag:s7], $0x2800  }
0xf4: {  	[sflag:s7] =	ssyncset.done $0x0  }
0xf5: {  	s31 =	simm.s32 $0x3E00;
	[sflag:s7] =	ssyncadd.s32 $0xFFFFD800  }
0xf6: {  	[spmem:s14] =	stream.indirect.scatter.add.f32 [tilespmem:s10], [sflag:$0x4], $0x80, s31, s16, $0xb8;
	[tilespmem:$0x1FD80] =	vst v63  }
0xf7: {  	_ = 	snop  }
0xf8: {  	[spmem:s15] =	stream.indirect.scatter.add.f32 [tilespmem:s2], [sflag:$0x5], $0x1, s31, s16, $0xb8;
	[tilespmem:$0x1FD80] =	vst v63  }
0xf9: {  	_ =	swait.ge [sflag:s29], $0x2800  }
0xfa: {  	[sflag:s29] =	ssyncset.done $0x0  }
0xfb: {  	[sflag:s29] =	ssyncadd.s32 $0xFFFFD800  }
0xfc: {  	_ =	swait.ge [sflag:s30], $0x50  }
0xfd: {  	[sflag:s30] =	ssyncset.done $0x0  }
0xfe: {  	[sflag:s30] =	ssyncadd.s32 $0xFFFFFFB0  }
0xff: {  	_ =	swait.ge [sflag:s29], $0x2800  }
0x100: {  	[sflag:s29] =	ssyncset.done $0x0  }
0x101: {  	[sflag:s29] =	ssyncadd.s32 $0xFFFFD800  }
0x102: {  	_ =	swait.ge [sflag:s30], $0x50  }
0x103: {  	[sflag:s30] =	ssyncset.done $0x0  }
0x104: {  	[sflag:s30] =	ssyncadd.s32 $0xFFFFFFB0  }
0x105: {  	[bflag:$0x0] =	sbarrier.arrive $0xFFFF  }
0x106: {  	[tilespmem:s3], [sflag:$0x7] =	stream.linear.gather [spmem:s18], $0x2800, $0x38;
	[tilespmem:$0x1FD80] =	vst v63  }
0x107: {  	_ =	swait.ge [sflag:s4], $0x2800  }
0x108: {  	[sflag:s4] =	ssyncset.done $0x0  }
0x109: {  	s13 =	rddreg [dreg:$0x8];
	[sflag:s4] =	ssyncadd.s32 $0xFFFFD800  }
0x10a: {  	[hbm4b:s13+s1] =	stream.linear.scatter [tilespmem:s3], [sflag:$0x6], $0x2800, $0x38;
	[tilespmem:$0x1FD80] =	vst v63  }
0x10b: {  	_ = 	snop  }
0x10c: {  	[tilespmem:s10], [sflag:$0x7] =	stream.linear.gather [spmem:s19], $0x2800, $0x38;
	[tilespmem:$0x1FD80] =	vst v63  }
0x10d: {  	_ =	swait.ge [sflag:s4], $0x2800  }
0x10e: {  	[sflag:s4] =	ssyncset.done $0x0  }
0x10f: {  	s28 =	rddreg [dreg:$0x9];
	[sflag:s4] =	ssyncadd.s32 $0xFFFFD800  }
0x110: {  	[hbm4b:s28+s1] =	stream.linear.scatter [tilespmem:s10], [sflag:$0x6], $0x2800, $0x38;
	[tilespmem:$0x1FD80] =	vst v63  }
0x111: {  	_ =	swait.ge [sflag:s6], $0x2800  }
0x112: {  	[sflag:s6] =	ssyncset.done $0x0  }
0x113: {  	[sflag:s6] =	ssyncadd.s32 $0xFFFFD800  }
0x114: {  	[tilespmem:s3], [sflag:$0x7] =	stream.linear.gather [spmem:s20], $0x2800, $0x38;
	[tilespmem:$0x1FD80] =	vst v63  }
0x115: {  	_ =	swait.ge [sflag:s4], $0x2800  }
0x116: {  	[sflag:s4] =	ssyncset.done $0x0  }
0x117: {  	s31 =	rddreg [dreg:$0xa];
	[sflag:s4] =	ssyncadd.s32 $0xFFFFD800  }
0x118: {  	[hbm4b:s31+s1] =	stream.linear.scatter [tilespmem:s3], [sflag:$0x6], $0x2800, $0x38;
	[tilespmem:$0x1FD80] =	vst v63  }
0x119: {  	_ =	swait.ge [sflag:s6], $0x2800  }
0x11a: {  	[sflag:s6] =	ssyncset.done $0x0  }
0x11b: {  	[sflag:s6] =	ssyncadd.s32 $0xFFFFD800  }
0x11c: {  	[tilespmem:s10], [sflag:$0x7] =	stream.linear.gather [spmem:s21], $0x2800, $0x38;
	[tilespmem:$0x1FD80] =	vst v63  }
0x11d: {  	_ =	swait.ge [sflag:s4], $0x2800  }
0x11e: {  	[sflag:s4] =	ssyncset.done $0x0  }
0x11f: {  	s13 =	rddreg [dreg:$0xb];
	[sflag:s4] =	ssyncadd.s32 $0xFFFFD800  }
0x120: {  	[hbm4b:s13+s1] =	stream.linear.scatter [tilespmem:s10], [sflag:$0x6], $0x2800, $0x38;
	[tilespmem:$0x1FD80] =	vst v63  }
0x121: {  	_ =	swait.ge [sflag:s6], $0x2800  }
0x122: {  	[sflag:s6] =	ssyncset.done $0x0  }
0x123: {  	[sflag:s6] =	ssyncadd.s32 $0xFFFFD800  }
0x124: {  	[tilespmem:s3], [sflag:$0x7] =	stream.linear.gather [spmem:s22], $0x2800, $0x38;
	[tilespmem:$0x1FD80] =	vst v63  }
0x125: {  	_ =	swait.ge [sflag:s4], $0x2800  }
0x126: {  	[sflag:s4] =	ssyncset.done $0x0  }
0x127: {  	s28 =	rddreg [dreg:$0xc];
	[sflag:s4] =	ssyncadd.s32 $0xFFFFD800  }
0x128: {  	[hbm4b:s28+s1] =	stream.linear.scatter [tilespmem:s3], [sflag:$0x6], $0x2800, $0x38;
	[tilespmem:$0x1FD80] =	vst v63  }
0x129: {  	_ =	swait.ge [sflag:s6], $0x2800  }
0x12a: {  	[sflag:s6] =	ssyncset.done $0x0  }
0x12b: {  	[sflag:s6] =	ssyncadd.s32 $0xFFFFD800  }
0x12c: {  	[tilespmem:s10], [sflag:$0x7] =	stream.linear.gather [spmem:s23], $0x2800, $0x38;
	[tilespmem:$0x1FD80] =	vst v63  }
0x12d: {  	_ =	swait.ge [sflag:s4], $0x2800  }
0x12e: {  	[sflag:s4] =	ssyncset.done $0x0  }
0x12f: {  	s31 =	rddreg [dreg:$0xd];
	[sflag:s4] =	ssyncadd.s32 $0xFFFFD800  }
0x130: {  	[hbm4b:s31+s1] =	stream.linear.scatter [tilespmem:s10], [sflag:$0x6], $0x2800, $0x38;
	[tilespmem:$0x1FD80] =	vst v63  }
0x131: {  	_ =	swait.ge [sflag:s6], $0x2800  }
0x132: {  	[sflag:s6] =	ssyncset.done $0x0  }
0x133: {  	[sflag:s6] =	ssyncadd.s32 $0xFFFFD800  }
0x134: {  	[tilespmem:s3], [sflag:$0x7] =	stream.linear.gather [spmem:s24], $0x2800, $0x38;
	[tilespmem:$0x1FD80] =	vst v63  }
0x135: {  	_ =	swait.ge [sflag:s4], $0x2800  }
0x136: {  	[sflag:s4] =	ssyncset.done $0x0  }
0x137: {  	s13 =	rddreg [dreg:$0xe];
	[sflag:s4] =	ssyncadd.s32 $0xFFFFD800  }
0x138: {  	[hbm4b:s13+s1] =	stream.linear.scatter [tilespmem:s3], [sflag:$0x6], $0x2800, $0x38;
	[tilespmem:$0x1FD80] =	vst v63  }
0x139: {  	_ =	swait.ge [sflag:s6], $0x2800  }
0x13a: {  	[sflag:s6] =	ssyncset.done $0x0  }
0x13b: {  	[sflag:s6] =	ssyncadd.s32 $0xFFFFD800  }
0x13c: {  	[tilespmem:s10], [sflag:$0x7] =	stream.linear.gather [spmem:s25], $0x2800, $0x38;
	[tilespmem:$0x1FD80] =	vst v63  }
0x13d: {  	_ =	swait.ge [sflag:s4], $0x2800  }
0x13e: {  	[sflag:s4] =	ssyncset.done $0x0  }
0x13f: {  	s28 =	rddreg [dreg:$0xf];
	[sflag:s4] =	ssyncadd.s32 $0xFFFFD800  }
0x140: {  	[hbm4b:s28+s1] =	stream.linear.scatter [tilespmem:s10], [sflag:$0x6], $0x2800, $0x38;
	[tilespmem:$0x1FD80] =	vst v63  }
0x141: {  	_ = 	snop  }
0x142: {  	[tilespmem:s5], [sflag:$0x7] =	stream.linear.gather [spmem:s26], $0x280, $0x38;
	[tilespmem:$0x1FD80] =	vst v63  }
0x143: {  	_ =	swait.ge [sflag:s4], $0x280  }
0x144: {  	s13 =	simm.s32 $0x80;
	[sflag:s4] =	ssyncset.done $0x0  }
0x145: {  	s28 =	simm.s32 $0x400;
	s31 =	rddreg [dreg:$0x14];
	[sflag:s4] =	ssyncadd.s32 $0xFFFFFD80  }
0x146: {  	[hbm4b:s31+s13] =	stream.strided.scatter [tilespmem:s5], [sflag:$0x7], $0x280, s28, s13, $0x38;
	[tilespmem:$0x1FD80] =	vst v63  }
0x147: {  	_ =	swait.ge [sflag:s4], $0x280  }
0x148: {  	[sflag:s4] =	ssyncset.done $0x0  }
0x149: {  	[sflag:s4] =	ssyncadd.s32 $0xFFFFFD80  }
0x14a: {  	_ =	swait.ge [sflag:s6], $0x2800  }
0x14b: {  	[sflag:s6] =	ssyncset.done $0x0  }
0x14c: {  	[sflag:s6] =	ssyncadd.s32 $0xFFFFD800  }
0x14d: {  	_ =	swait.ge [sflag:s6], $0x2800  }
0x14e: {  	s11 =	sadd.s32 $0x1, s11;
	s31 =	rddreg [dreg:$0x15]  }
0x14f: {  	p0 =	sne.s32 s11, s31  }
.Ltmp1:
0x150: {  	_ = 	snop;
	(pc) =	sbr.rel @p0 .LBB2_1-.Ltmp1, $3  }
0x151: {  	_ =	sdelay $0x1  }
0x152: {  	[sflag:s6] =	ssyncset.done $0x0  }
0x153: {  	[sflag:s6] =	ssyncadd.s32 $0xFFFFD800  }
0x154: {  	_ =	sfence.sel $0x180000  }
0x155: {  	[bflag:$0x0] =	sbarrier.arrive $0xFFFF  }
0x156: {  	_ =	strace $0x90000047  }
0x157: {  	s0 =	stileid.u32;
	[bflag:$0x2] =	sbarrier.arrive $0xFFFF  }
0x158: {  	p0 =	sne.s32 s0, $0x0;
	s0 =	rddreg [dreg:$0x6]  }
0x159: {  	s0 =	sadd.s32 @!p0 $0x100000, s0  }
0x15a: {  	[sflag:s0] =	ssyncadd.tile.s32 @!p0 $0x1;
	_ =	shalt  }
.Lfunc_end2:
_tile_overlayer_lowered:
.L_overlay_start_2:
0x15b: {  	(tag) =	ssettag $0x2  }
0x15c: {  	s0 =	rddreg [dreg:$0x0];
	s2 =	stileid.u32  }
0x15d: {  	s1 =	rddreg [dreg:$0x1];
	p0 =	sne.s32 s2, $0x0  }
0x15e: {  	s3 =	rddreg [dreg:$0x2];
	[bflag:$0x3] =	sbarrier.arrive $0xFFFF;
	s2 =	simm.s32 @!p0 $0x1C07  }
0x15f: {  	[timem:s3], [sflag:s2] =	dma.local @!p0 [hbm:s0], s1  }
0x160: {  	s0 =	simm.s32 @!p0 $0x7  }
0x161: {  	_ =	swait.ge @!p0 [sflag:s0], s1  }
0x162: {  	s1 =	ssub.s32 @!p0 $0x0, s1;
	[sflag:s0] =	ssyncset.done @!p0 $0x0  }
0x163: {  	[sflag:s0] =	ssyncadd.s32 @!p0 s1  }
0x164: {  	[bflag:$0x3] =	sbarrier.arrive $0xFFFF  }
0x165: {  	_ =	shalt  }

</sc_bundles>
